<compile_context>
chip_gen: v7x
topology: tpu7x:2x2x1
jax: 0.10.2.dev20260603
libtpu: 0.0.44.dev20260713+nightly
codegen_flags: <defaults>
</compile_context>

<pallas_src>
import functools

import jax
import jax.numpy as jnp
from jax import lax
from jax.experimental import pallas as pl
from jax.experimental.pallas import tpu as pltpu
from jax.experimental.pallas import tpu_sc as plsc

_B = 16384
_D = 128
_K0 = 100
_K1 = 10
_KP = 128
_CHUNK = 128
_NC = 2
_NS = 16
_NW = _NC * _NS
_NSPLIT = 2
_HB = _B // _NSPLIT
_HBPW = _HB // _NW
_HNCH = _HBPW // _CHUNK


def _gather_body(uids, iids, ut, it, uout, iout, idx_v, rows_v, sem):
    wid = lax.axis_index("s") * _NC + lax.axis_index("c")
    base = wid * _HBPW
    pltpu.sync_copy(uids.at[wid], idx_v)
    for j in range(_HNCH):
        pltpu.async_copy(ut.at[idx_v.at[j]],
                         rows_v.at[pl.ds(j * _CHUNK, _CHUNK)], sem).wait()
    pltpu.sync_copy(rows_v, uout.at[pl.ds(base, _HBPW)])
    pltpu.sync_copy(iids.at[wid], idx_v)
    for j in range(_HNCH):
        pltpu.async_copy(it.at[idx_v.at[j]],
                         rows_v.at[pl.ds(j * _CHUNK, _CHUNK)], sem).wait()
    pltpu.sync_copy(rows_v, iout.at[pl.ds(base, _HBPW)])


@functools.cache
def _gather_half():
    return pl.kernel(
        _gather_body,
        mesh=plsc.VectorSubcoreMesh(core_axis_name="c", subcore_axis_name="s"),
        out_type=[jax.ShapeDtypeStruct((_HB, _D), jnp.float32),
                  jax.ShapeDtypeStruct((_HB, _D), jnp.float32)],
        scratch_types=[pltpu.VMEM((_HNCH, _CHUNK), jnp.int32),
                       pltpu.VMEM((_HBPW, _D), jnp.float32),
                       pltpu.SemaphoreType.DMA],
    )


def _vq_body(u_ref, e_ref, cb0_ref, n0_ref, a0_ref, b0_ref, c0_ref,
             cb1_ref, n1_ref, a1_ref, b1_ref, c1_ref,
             logits_ref, loss_ref):
    f32 = jnp.float32
    bf16 = jnp.bfloat16
    e = e_ref[...]
    u = u_ref[...]

    def layer(r, cb_ref, n_ref, a_ref, b_ref, c_ref):
        cb = cb_ref[...]
        rs = jnp.sum(r * r, axis=-1, keepdims=True)
        cross = lax.dot_general(r, cb, (((1,), (1,)), ((), ())),
                                preferred_element_type=f32)
        d = rs - 2.0 * cross + n_ref[...]
        m = jnp.min(d, axis=-1, keepdims=True)
        ii = lax.broadcasted_iota(jnp.int32, d.shape, 1).astype(f32)
        sel = jnp.where(d == m, ii, f32(_KP))
        amin = jnp.min(sel, axis=-1, keepdims=True)
        ohb = (ii == amin).astype(bf16)
        def sel_dot(p_ref):
            return lax.dot_general(ohb, p_ref[...], (((1,), (0,)), ((), ())),
                                   preferred_element_type=f32)
        q = sel_dot(a_ref) + (sel_dot(b_ref) + sel_dot(c_ref))
        return q, m

    q0, m0 = layer(e, cb0_ref, n0_ref, a0_ref, b0_ref, c0_ref)
    r1 = e - q0
    q1, m1 = layer(r1, cb1_ref, n1_ref, a1_ref, b1_ref, c1_ref)
    t = u * (e + q0 + q1)
    g = t.shape[0] // _D
    t3 = t.reshape(g, _D, _D)
    ones = jnp.ones((g, 1, _D), f32)
    row = lax.dot_general(ones, t3, (((2,), (2,)), ((0,), (0,))),
                          preferred_element_type=f32)
    logits_ref[...] = row.reshape(g, _D)
    mm3 = (m0 + m1).reshape(g, _D, 1)
    psum = lax.dot_general(ones, mm3, (((2,), (1,)), ((0,), (0,))),
                           preferred_element_type=f32)
    part = jnp.sum(psum)

    @pl.when(pl.program_id(0) == 0)
    def _():
        loss_ref[0, 0] = f32(0.0)

    loss_ref[0, 0] += part


def _vq_half(u_emb, i_emb, cb0p, n0, s0, cb1p, n1, s1):
    bb = min(4096, _HB)
    cbspec = [pl.BlockSpec((_KP, _D), lambda i: (0, 0)),
              pl.BlockSpec((1, _KP), lambda i: (0, 0)),
              pl.BlockSpec((_KP, _D), lambda i: (0, 0)),
              pl.BlockSpec((_KP, _D), lambda i: (0, 0)),
              pl.BlockSpec((_KP, _D), lambda i: (0, 0))]
    return pl.pallas_call(
        _vq_body,
        grid=(_HB // bb,),
        in_specs=[
            pl.BlockSpec((bb, _D), lambda i: (i, 0)),
            pl.BlockSpec((bb, _D), lambda i: (i, 0)),
        ] + cbspec + cbspec,
        out_specs=[
            pl.BlockSpec((bb // _D, _D), lambda i: (i, 0)),
            pl.BlockSpec((1, 1), lambda i: (0, 0),
                         memory_space=pltpu.SMEM),
        ],
        out_shape=[jax.ShapeDtypeStruct((_HB // _D, _D), jnp.float32),
                   jax.ShapeDtypeStruct((1, 1), jnp.float32)],
    )(u_emb, i_emb, cb0p, n0, *s0, cb1p, n1, *s1)


def kernel(user_ids, item_ids, labels, user_table, item_table,
           codebook0, codebook1):
    uids4 = user_ids.astype(jnp.int32).reshape(_NSPLIT, _NW, _HNCH, _CHUNK)
    iids4 = item_ids.astype(jnp.int32).reshape(_NSPLIT, _NW, _HNCH, _CHUNK)

    gathered = [_gather_half()(uids4[h], iids4[h], user_table, item_table)
                for h in range(_NSPLIT)]

    cb0p = jnp.zeros((_KP, _D), jnp.float32).at[:_K0].set(codebook0)
    cb1p = jnp.zeros((_KP, _D), jnp.float32).at[:_K1].set(codebook1)
    n0 = jnp.full((1, _KP), 1e30, jnp.float32).at[0, :_K0].set(
        jnp.sum(codebook0 * codebook0, axis=1))
    n1 = jnp.full((1, _KP), 1e30, jnp.float32).at[0, :_K1].set(
        jnp.sum(codebook1 * codebook1, axis=1))

    def split3(cb):
        a = cb.astype(jnp.bfloat16)
        r = cb - a.astype(jnp.float32)
        b = r.astype(jnp.bfloat16)
        c = (r - b.astype(jnp.float32)).astype(jnp.bfloat16)
        return a, b, c

    s0 = split3(cb0p)
    s1 = split3(cb1p)

    halves = [_vq_half(u_emb, i_emb, cb0p, n0, s0, cb1p, n1, s1)
              for u_emb, i_emb in gathered]

    logits = jnp.concatenate([lg for lg, _ in halves], axis=0).reshape(_B)
    loss_sum = halves[0][1][0, 0]
    for _, ls in halves[1:]:
        loss_sum = loss_sum + ls[0, 0]
    additional_loss = loss_sum * jnp.float32(1.25 / _B)
    return logits, additional_loss

# --- scband reference (transcript-rebuilt; emitter-appended) ---
"""Pipeline reference for scband-base-recommender-75892072120404 (READ-ONLY COPY).

The authoritative reference and input builder live on the scoring server;
editing this copy changes nothing except your own understanding.
"""

import jax, jax.numpy as jnp
import numpy as np

BATCH = 16384
VOCAB = 100000
DIM = 128
CLUSTER_SIZES = [100, 10]
COMMITMENT_COST = 0.25


def setup_inputs(seed: int = 0) -> dict:
    key = jax.random.key(seed)
    k1, k2, k3, k4, k5, k6, k7 = jax.random.split(key, 7)
    user_ids = jax.random.randint(k1, (BATCH,), 0, VOCAB, dtype=jnp.int64) if jax.config.jax_enable_x64 else jax.random.randint(k1, (BATCH,), 0, VOCAB, dtype=jnp.int32)
    item_ids = jax.random.randint(k2, (BATCH,), 0, VOCAB, dtype=user_ids.dtype)
    labels = jax.random.uniform(k3, (BATCH,), dtype=jnp.float32)
    user_table = jax.random.normal(k4, (VOCAB, DIM), dtype=jnp.float32) * 0.02
    item_table = jax.random.normal(k5, (VOCAB, DIM), dtype=jnp.float32) * 0.02
    codebook0 = jax.random.normal(k6, (CLUSTER_SIZES[0], DIM), dtype=jnp.float32) * 0.02
    codebook1 = jax.random.normal(k7, (CLUSTER_SIZES[1], DIM), dtype=jnp.float32) * 0.02
    return {"user_ids": user_ids, "item_ids": item_ids, "labels": labels,
            "user_table": user_table, "item_table": item_table,
            "codebook0": codebook0, "codebook1": codebook1}


def _vq_layer(residual, codebook):
    # squared L2 distances [B, K]
    d = (jnp.sum(residual * residual, axis=-1, keepdims=True)
         - 2.0 * residual @ codebook.T
         + jnp.sum(codebook * codebook, axis=-1)[None, :])
    idx = jnp.argmin(d, axis=-1)
    q = jnp.take(codebook, idx, axis=0)
    sg = jax.lax.stop_gradient
    codebook_loss = jnp.mean(jnp.sum((sg(residual) - q) ** 2, axis=-1))
    commit_loss = jnp.mean(jnp.sum((residual - sg(q)) ** 2, axis=-1))
    loss = codebook_loss + COMMITMENT_COST * commit_loss
    # straight-through estimator
    q_st = residual + sg(q - residual)
    return q_st, loss


def reference(user_ids, item_ids, labels, user_table, item_table, codebook0, codebook1):
    # embedding lookups (embedding_manager(col)(batch[col]))
    item_embedding = jnp.take(item_table, item_ids, axis=0)
    user_embedding = jnp.take(user_table, user_ids, axis=0)
    # C5 residual quantization over cluster_sizes [100, 10] (layer_connect=True)
    residual = item_embedding
    quantized_sum = jnp.zeros_like(item_embedding)
    additional_loss = jnp.float32(0.0)
    for cb in (codebook0, codebook1):
        q, l = _vq_layer(residual, cb)
        quantized_sum = quantized_sum + q
        residual = residual - q
        additional_loss = additional_loss + l
    final_item_embedding = item_embedding + quantized_sum
    # predict: dot-product scoring (canonical BaseRecommender subclass)
    logits = jnp.sum(user_embedding * final_item_embedding, axis=-1)
    return logits, additional_loss

if __name__ == "__main__":
    import jax
    _d = setup_inputs()
    print(jax.jit(kernel)(*tuple(_d.values())))

</pallas_src>

<mosaic_0001>
#map = affine_map<(d0, d1) -> (0, 0, 0)>
#map1 = affine_map<(d0, d1) -> (0, 0)>
module attributes {stable_mosaic.version = 14 : i64} {
  func.func @_gather_body(%arg0: i32, %arg1: i32, %arg2: memref<32x2x128xi32, #tpu.memory_space<hbm>>, %arg3: memref<32x2x128xi32, #tpu.memory_space<hbm>>, %arg4: memref<100000x128xf32, #tpu.memory_space<hbm>>, %arg5: memref<100000x128xf32, #tpu.memory_space<hbm>>, %arg6: memref<8192x128xf32, #tpu.memory_space<hbm>>, %arg7: memref<8192x128xf32, #tpu.memory_space<hbm>>, %arg8: memref<2x128xi32, #tpu.memory_space<vmem>>, %arg9: memref<256x128xf32, #tpu.memory_space<vmem>>, %arg10: memref<!tpu.dma_semaphore, #tpu.memory_space<semaphore_mem>>) attributes {dimension_semantics = [#tpu.dimension_semantics<core_parallel>, #tpu.dimension_semantics<subcore_parallel>], iteration_bounds = array<i64: 2, 16>, scalar_prefetch = 0 : i64, scratch_operands = 3 : i64, tpu.core_type = #tpu.core_type<sc_vector_subcore>, window_params = [{transform_indices = #map}, {transform_indices = #map}, {transform_indices = #map1}, {transform_indices = #map1}, {transform_indices = #map1}, {transform_indices = #map1}]} {
    %mul3A = arith.constant 2 : i32
    %mul3A_0 = arith.muli %arg1, %mul3A : i32
    %add3A = arith.addi %mul3A_0, %arg0 : i32
    %mul3A_1 = arith.constant 256 : i32
    %mul3A_2 = arith.muli %add3A, %mul3A_1 : i32
    "tpu.region"() ({
      %run_scoped3A = tpu.sem_alloc : memref<!tpu.dma_semaphore, #tpu.memory_space<semaphore_mem>>
      %dma_start3A_81 = arith.constant 0 : i32
      %dma_start3A_82 = arith.constant 0 : i32
      %dma_start3A_83 = tpu.memref_slice %arg2[%add3A, %dma_start3A_81, %dma_start3A_82] : memref<32x2x128xi32, #tpu.memory_space<hbm>> -> memref<1x2x128xi32, #tpu.memory_space<hbm>>
      %dma_start3A_84 = tpu.memref_squeeze %dma_start3A_83 : memref<1x2x128xi32, #tpu.memory_space<hbm>> -> memref<2x128xi32, #tpu.memory_space<hbm>>
      %dma_start3A_85 = arith.constant 0 : i32
      %dma_start3A_86 = arith.constant 0 : i32
      %dma_start3A_87 = tpu.memref_slice %arg2[%add3A, %dma_start3A_85, %dma_start3A_86] : memref<32x2x128xi32, #tpu.memory_space<hbm>> -> memref<1x2x128xi32, #tpu.memory_space<hbm>>
      %dma_start3A_88 = tpu.memref_squeeze %dma_start3A_87 : memref<1x2x128xi32, #tpu.memory_space<hbm>> -> memref<2x128xi32, #tpu.memory_space<hbm>>
      tpu.enqueue_dma source(%dma_start3A_88 : memref<2x128xi32, #tpu.memory_space<hbm>>) target(%arg8 : memref<2x128xi32, #tpu.memory_space<vmem>>) target_semaphore(%run_scoped3A : memref<!tpu.dma_semaphore, #tpu.memory_space<semaphore_mem>>)
      %dma_wait3A_89 = arith.constant 0 : i32
      %dma_wait3A_90 = arith.constant 0 : i32
      %dma_wait3A_91 = tpu.memref_slice %arg2[%add3A, %dma_wait3A_89, %dma_wait3A_90] : memref<32x2x128xi32, #tpu.memory_space<hbm>> -> memref<1x2x128xi32, #tpu.memory_space<hbm>>
      %dma_wait3A_92 = tpu.memref_squeeze %dma_wait3A_91 : memref<1x2x128xi32, #tpu.memory_space<hbm>> -> memref<2x128xi32, #tpu.memory_space<hbm>>
      %dma_wait3A_93 = arith.constant 0 : i32
      %dma_wait3A_94 = arith.constant 0 : i32
      %dma_wait3A_95 = tpu.memref_slice %arg2[%add3A, %dma_wait3A_93, %dma_wait3A_94] : memref<32x2x128xi32, #tpu.memory_space<hbm>> -> memref<1x2x128xi32, #tpu.memory_space<hbm>>
      %dma_wait3A_96 = tpu.memref_squeeze %dma_wait3A_95 : memref<1x2x128xi32, #tpu.memory_space<hbm>> -> memref<2x128xi32, #tpu.memory_space<hbm>>
      tpu.wait_dma2 semaphore(%run_scoped3A : memref<!tpu.dma_semaphore, #tpu.memory_space<semaphore_mem>>) src(%dma_wait3A_96 : memref<2x128xi32, #tpu.memory_space<hbm>>) dst(%arg8 : memref<2x128xi32, #tpu.memory_space<vmem>>)
      tpu.yield
    }) : () -> ()
    %dma_start3A = arith.constant 0 : i32
    %dma_start3A_3 = arith.constant 0 : i32
    %dma_start3A_4 = arith.constant 0 : i32
    %dma_start3A_5 = tpu.memref_slice %arg9[%dma_start3A_3, %dma_start3A_4] : memref<256x128xf32, #tpu.memory_space<vmem>> -> memref<128x128xf32, #tpu.memory_space<vmem>>
    %dma_start3A_6 = arith.constant 0 : i32
    %dma_start3A_7 = tpu.memref_slice %arg8[%dma_start3A, %dma_start3A_6] : memref<2x128xi32, #tpu.memory_space<vmem>> -> memref<1x128xi32, #tpu.memory_space<vmem>>
    %dma_start3A_8 = tpu.memref_squeeze %dma_start3A_7 : memref<1x128xi32, #tpu.memory_space<vmem>> -> memref<128xi32, #tpu.memory_space<vmem>>
    %dma_start3A_9 = arith.constant 0 : i32
    %dma_start3A_10 = arith.constant 0 : i32
    %dma_start3A_11 = tpu.memref_slice %arg4[%dma_start3A_9, %dma_start3A_10] : memref<100000x128xf32, #tpu.memory_space<hbm>> -> memref<100000x128xf32, #tpu.memory_space<hbm>>
    tpu.enqueue_indirect_dma source(%dma_start3A_11 : memref<100000x128xf32, #tpu.memory_space<hbm>>) target(%dma_start3A_5 : memref<128x128xf32, #tpu.memory_space<vmem>>) offsets(%dma_start3A_8 : memref<128xi32, #tpu.memory_space<vmem>>) semaphore(%arg10 : memref<!tpu.dma_semaphore, #tpu.memory_space<semaphore_mem>>)
    %dma_wait3A = arith.constant 0 : i32
    %dma_wait3A_12 = arith.constant 0 : i32
    %dma_wait3A_13 = arith.constant 0 : i32
    %dma_wait3A_14 = tpu.memref_slice %arg9[%dma_wait3A_12, %dma_wait3A_13] : memref<256x128xf32, #tpu.memory_space<vmem>> -> memref<128x128xf32, #tpu.memory_space<vmem>>
    %dma_wait3A_15 = arith.constant 0 : i32
    %dma_wait3A_16 = tpu.memref_slice %arg8[%dma_wait3A, %dma_wait3A_15] : memref<2x128xi32, #tpu.memory_space<vmem>> -> memref<1x128xi32, #tpu.memory_space<vmem>>
    %dma_wait3A_17 = tpu.memref_squeeze %dma_wait3A_16 : memref<1x128xi32, #tpu.memory_space<vmem>> -> memref<128xi32, #tpu.memory_space<vmem>>
    %dma_wait3A_18 = arith.constant 0 : i32
    %dma_wait3A_19 = arith.constant 0 : i32
    %dma_wait3A_20 = tpu.memref_slice %arg4[%dma_wait3A_18, %dma_wait3A_19] : memref<100000x128xf32, #tpu.memory_space<hbm>> -> memref<100000x128xf32, #tpu.memory_space<hbm>>
    tpu.wait_indirect_dma semaphore(%arg10 : memref<!tpu.dma_semaphore, #tpu.memory_space<semaphore_mem>>) src(%dma_wait3A_20 : memref<100000x128xf32, #tpu.memory_space<hbm>>) dst(%dma_wait3A_14 : memref<128x128xf32, #tpu.memory_space<vmem>>)
    %dma_start3A_21 = arith.constant 1 : i32
    %dma_start3A_22 = arith.constant 128 : i32
    %dma_start3A_23 = arith.constant 0 : i32
    %dma_start3A_24 = tpu.memref_slice %arg9[%dma_start3A_22, %dma_start3A_23] : memref<256x128xf32, #tpu.memory_space<vmem>> -> memref<128x128xf32, #tpu.memory_space<vmem>>
    %dma_start3A_25 = arith.constant 0 : i32
    %dma_start3A_26 = tpu.memref_slice %arg8[%dma_start3A_21, %dma_start3A_25] : memref<2x128xi32, #tpu.memory_space<vmem>> -> memref<1x128xi32, #tpu.memory_space<vmem>>
    %dma_start3A_27 = tpu.memref_squeeze %dma_start3A_26 : memref<1x128xi32, #tpu.memory_space<vmem>> -> memref<128xi32, #tpu.memory_space<vmem>>
    %dma_start3A_28 = arith.constant 0 : i32
    %dma_start3A_29 = arith.constant 0 : i32
    %dma_start3A_30 = tpu.memref_slice %arg4[%dma_start3A_28, %dma_start3A_29] : memref<100000x128xf32, #tpu.memory_space<hbm>> -> memref<100000x128xf32, #tpu.memory_space<hbm>>
    tpu.enqueue_indirect_dma source(%dma_start3A_30 : memref<100000x128xf32, #tpu.memory_space<hbm>>) target(%dma_start3A_24 : memref<128x128xf32, #tpu.memory_space<vmem>>) offsets(%dma_start3A_27 : memref<128xi32, #tpu.memory_space<vmem>>) semaphore(%arg10 : memref<!tpu.dma_semaphore, #tpu.memory_space<semaphore_mem>>)
    %dma_wait3A_31 = arith.constant 1 : i32
    %dma_wait3A_32 = arith.constant 128 : i32
    %dma_wait3A_33 = arith.constant 0 : i32
    %dma_wait3A_34 = tpu.memref_slice %arg9[%dma_wait3A_32, %dma_wait3A_33] : memref<256x128xf32, #tpu.memory_space<vmem>> -> memref<128x128xf32, #tpu.memory_space<vmem>>
    %dma_wait3A_35 = arith.constant 0 : i32
    %dma_wait3A_36 = tpu.memref_slice %arg8[%dma_wait3A_31, %dma_wait3A_35] : memref<2x128xi32, #tpu.memory_space<vmem>> -> memref<1x128xi32, #tpu.memory_space<vmem>>
    %dma_wait3A_37 = tpu.memref_squeeze %dma_wait3A_36 : memref<1x128xi32, #tpu.memory_space<vmem>> -> memref<128xi32, #tpu.memory_space<vmem>>
    %dma_wait3A_38 = arith.constant 0 : i32
    %dma_wait3A_39 = arith.constant 0 : i32
    %dma_wait3A_40 = tpu.memref_slice %arg4[%dma_wait3A_38, %dma_wait3A_39] : memref<100000x128xf32, #tpu.memory_space<hbm>> -> memref<100000x128xf32, #tpu.memory_space<hbm>>
    tpu.wait_indirect_dma semaphore(%arg10 : memref<!tpu.dma_semaphore, #tpu.memory_space<semaphore_mem>>) src(%dma_wait3A_40 : memref<100000x128xf32, #tpu.memory_space<hbm>>) dst(%dma_wait3A_34 : memref<128x128xf32, #tpu.memory_space<vmem>>)
    "tpu.region"() ({
      %run_scoped3A = tpu.sem_alloc : memref<!tpu.dma_semaphore, #tpu.memory_space<semaphore_mem>>
      %dma_start3A_81 = arith.constant 0 : i32
      %dma_start3A_82 = tpu.memref_slice %arg6[%mul3A_2, %dma_start3A_81] : memref<8192x128xf32, #tpu.memory_space<hbm>> -> memref<256x128xf32, #tpu.memory_space<hbm>>
      %dma_start3A_83 = arith.constant 0 : i32
      %dma_start3A_84 = tpu.memref_slice %arg6[%mul3A_2, %dma_start3A_83] : memref<8192x128xf32, #tpu.memory_space<hbm>> -> memref<256x128xf32, #tpu.memory_space<hbm>>
      tpu.enqueue_dma source(%arg9 : memref<256x128xf32, #tpu.memory_space<vmem>>) target(%dma_start3A_84 : memref<256x128xf32, #tpu.memory_space<hbm>>) target_semaphore(%run_scoped3A : memref<!tpu.dma_semaphore, #tpu.memory_space<semaphore_mem>>)
      %dma_wait3A_85 = arith.constant 0 : i32
      %dma_wait3A_86 = tpu.memref_slice %arg6[%mul3A_2, %dma_wait3A_85] : memref<8192x128xf32, #tpu.memory_space<hbm>> -> memref<256x128xf32, #tpu.memory_space<hbm>>
      %dma_wait3A_87 = arith.constant 0 : i32
      %dma_wait3A_88 = tpu.memref_slice %arg6[%mul3A_2, %dma_wait3A_87] : memref<8192x128xf32, #tpu.memory_space<hbm>> -> memref<256x128xf32, #tpu.memory_space<hbm>>
      tpu.wait_dma2 semaphore(%run_scoped3A : memref<!tpu.dma_semaphore, #tpu.memory_space<semaphore_mem>>) src(%arg9 : memref<256x128xf32, #tpu.memory_space<vmem>>) dst(%dma_wait3A_88 : memref<256x128xf32, #tpu.memory_space<hbm>>)
      tpu.yield
    }) : () -> ()
    "tpu.region"() ({
      %run_scoped3A = tpu.sem_alloc : memref<!tpu.dma_semaphore, #tpu.memory_space<semaphore_mem>>
      %dma_start3A_81 = arith.constant 0 : i32
      %dma_start3A_82 = arith.constant 0 : i32
      %dma_start3A_83 = tpu.memref_slice %arg3[%add3A, %dma_start3A_81, %dma_start3A_82] : memref<32x2x128xi32, #tpu.memory_space<hbm>> -> memref<1x2x128xi32, #tpu.memory_space<hbm>>
      %dma_start3A_84 = tpu.memref_squeeze %dma_start3A_83 : memref<1x2x128xi32, #tpu.memory_space<hbm>> -> memref<2x128xi32, #tpu.memory_space<hbm>>
      %dma_start3A_85 = arith.constant 0 : i32
      %dma_start3A_86 = arith.constant 0 : i32
      %dma_start3A_87 = tpu.memref_slice %arg3[%add3A, %dma_start3A_85, %dma_start3A_86] : memref<32x2x128xi32, #tpu.memory_space<hbm>> -> memref<1x2x128xi32, #tpu.memory_space<hbm>>
      %dma_start3A_88 = tpu.memref_squeeze %dma_start3A_87 : memref<1x2x128xi32, #tpu.memory_space<hbm>> -> memref<2x128xi32, #tpu.memory_space<hbm>>
      tpu.enqueue_dma source(%dma_start3A_88 : memref<2x128xi32, #tpu.memory_space<hbm>>) target(%arg8 : memref<2x128xi32, #tpu.memory_space<vmem>>) target_semaphore(%run_scoped3A : memref<!tpu.dma_semaphore, #tpu.memory_space<semaphore_mem>>)
      %dma_wait3A_89 = arith.constant 0 : i32
      %dma_wait3A_90 = arith.constant 0 : i32
      %dma_wait3A_91 = tpu.memref_slice %arg3[%add3A, %dma_wait3A_89, %dma_wait3A_90] : memref<32x2x128xi32, #tpu.memory_space<hbm>> -> memref<1x2x128xi32, #tpu.memory_space<hbm>>
      %dma_wait3A_92 = tpu.memref_squeeze %dma_wait3A_91 : memref<1x2x128xi32, #tpu.memory_space<hbm>> -> memref<2x128xi32, #tpu.memory_space<hbm>>
      %dma_wait3A_93 = arith.constant 0 : i32
      %dma_wait3A_94 = arith.constant 0 : i32
      %dma_wait3A_95 = tpu.memref_slice %arg3[%add3A, %dma_wait3A_93, %dma_wait3A_94] : memref<32x2x128xi32, #tpu.memory_space<hbm>> -> memref<1x2x128xi32, #tpu.memory_space<hbm>>
      %dma_wait3A_96 = tpu.memref_squeeze %dma_wait3A_95 : memref<1x2x128xi32, #tpu.memory_space<hbm>> -> memref<2x128xi32, #tpu.memory_space<hbm>>
      tpu.wait_dma2 semaphore(%run_scoped3A : memref<!tpu.dma_semaphore, #tpu.memory_space<semaphore_mem>>) src(%dma_wait3A_96 : memref<2x128xi32, #tpu.memory_space<hbm>>) dst(%arg8 : memref<2x128xi32, #tpu.memory_space<vmem>>)
      tpu.yield
    }) : () -> ()
    %dma_start3A_41 = arith.constant 0 : i32
    %dma_start3A_42 = arith.constant 0 : i32
    %dma_start3A_43 = arith.constant 0 : i32
    %dma_start3A_44 = tpu.memref_slice %arg9[%dma_start3A_42, %dma_start3A_43] : memref<256x128xf32, #tpu.memory_space<vmem>> -> memref<128x128xf32, #tpu.memory_space<vmem>>
    %dma_start3A_45 = arith.constant 0 : i32
    %dma_start3A_46 = tpu.memref_slice %arg8[%dma_start3A_41, %dma_start3A_45] : memref<2x128xi32, #tpu.memory_space<vmem>> -> memref<1x128xi32, #tpu.memory_space<vmem>>
    %dma_start3A_47 = tpu.memref_squeeze %dma_start3A_46 : memref<1x128xi32, #tpu.memory_space<vmem>> -> memref<128xi32, #tpu.memory_space<vmem>>
    %dma_start3A_48 = arith.constant 0 : i32
    %dma_start3A_49 = arith.constant 0 : i32
    %dma_start3A_50 = tpu.memref_slice %arg5[%dma_start3A_48, %dma_start3A_49] : memref<100000x128xf32, #tpu.memory_space<hbm>> -> memref<100000x128xf32, #tpu.memory_space<hbm>>
    tpu.enqueue_indirect_dma source(%dma_start3A_50 : memref<100000x128xf32, #tpu.memory_space<hbm>>) target(%dma_start3A_44 : memref<128x128xf32, #tpu.memory_space<vmem>>) offsets(%dma_start3A_47 : memref<128xi32, #tpu.memory_space<vmem>>) semaphore(%arg10 : memref<!tpu.dma_semaphore, #tpu.memory_space<semaphore_mem>>)
    %dma_wait3A_51 = arith.constant 0 : i32
    %dma_wait3A_52 = arith.constant 0 : i32
    %dma_wait3A_53 = arith.constant 0 : i32
    %dma_wait3A_54 = tpu.memref_slice %arg9[%dma_wait3A_52, %dma_wait3A_53] : memref<256x128xf32, #tpu.memory_space<vmem>> -> memref<128x128xf32, #tpu.memory_space<vmem>>
    %dma_wait3A_55 = arith.constant 0 : i32
    %dma_wait3A_56 = tpu.memref_slice %arg8[%dma_wait3A_51, %dma_wait3A_55] : memref<2x128xi32, #tpu.memory_space<vmem>> -> memref<1x128xi32, #tpu.memory_space<vmem>>
    %dma_wait3A_57 = tpu.memref_squeeze %dma_wait3A_56 : memref<1x128xi32, #tpu.memory_space<vmem>> -> memref<128xi32, #tpu.memory_space<vmem>>
    %dma_wait3A_58 = arith.constant 0 : i32
    %dma_wait3A_59 = arith.constant 0 : i32
    %dma_wait3A_60 = tpu.memref_slice %arg5[%dma_wait3A_58, %dma_wait3A_59] : memref<100000x128xf32, #tpu.memory_space<hbm>> -> memref<100000x128xf32, #tpu.memory_space<hbm>>
    tpu.wait_indirect_dma semaphore(%arg10 : memref<!tpu.dma_semaphore, #tpu.memory_space<semaphore_mem>>) src(%dma_wait3A_60 : memref<100000x128xf32, #tpu.memory_space<hbm>>) dst(%dma_wait3A_54 : memref<128x128xf32, #tpu.memory_space<vmem>>)
    %dma_start3A_61 = arith.constant 1 : i32
    %dma_start3A_62 = arith.constant 128 : i32
    %dma_start3A_63 = arith.constant 0 : i32
    %dma_start3A_64 = tpu.memref_slice %arg9[%dma_start3A_62, %dma_start3A_63] : memref<256x128xf32, #tpu.memory_space<vmem>> -> memref<128x128xf32, #tpu.memory_space<vmem>>
    %dma_start3A_65 = arith.constant 0 : i32
    %dma_start3A_66 = tpu.memref_slice %arg8[%dma_start3A_61, %dma_start3A_65] : memref<2x128xi32, #tpu.memory_space<vmem>> -> memref<1x128xi32, #tpu.memory_space<vmem>>
    %dma_start3A_67 = tpu.memref_squeeze %dma_start3A_66 : memref<1x128xi32, #tpu.memory_space<vmem>> -> memref<128xi32, #tpu.memory_space<vmem>>
    %dma_start3A_68 = arith.constant 0 : i32
    %dma_start3A_69 = arith.constant 0 : i32
    %dma_start3A_70 = tpu.memref_slice %arg5[%dma_start3A_68, %dma_start3A_69] : memref<100000x128xf32, #tpu.memory_space<hbm>> -> memref<100000x128xf32, #tpu.memory_space<hbm>>
    tpu.enqueue_indirect_dma source(%dma_start3A_70 : memref<100000x128xf32, #tpu.memory_space<hbm>>) target(%dma_start3A_64 : memref<128x128xf32, #tpu.memory_space<vmem>>) offsets(%dma_start3A_67 : memref<128xi32, #tpu.memory_space<vmem>>) semaphore(%arg10 : memref<!tpu.dma_semaphore, #tpu.memory_space<semaphore_mem>>)
    %dma_wait3A_71 = arith.constant 1 : i32
    %dma_wait3A_72 = arith.constant 128 : i32
    %dma_wait3A_73 = arith.constant 0 : i32
    %dma_wait3A_74 = tpu.memref_slice %arg9[%dma_wait3A_72, %dma_wait3A_73] : memref<256x128xf32, #tpu.memory_space<vmem>> -> memref<128x128xf32, #tpu.memory_space<vmem>>
    %dma_wait3A_75 = arith.constant 0 : i32
    %dma_wait3A_76 = tpu.memref_slice %arg8[%dma_wait3A_71, %dma_wait3A_75] : memref<2x128xi32, #tpu.memory_space<vmem>> -> memref<1x128xi32, #tpu.memory_space<vmem>>
    %dma_wait3A_77 = tpu.memref_squeeze %dma_wait3A_76 : memref<1x128xi32, #tpu.memory_space<vmem>> -> memref<128xi32, #tpu.memory_space<vmem>>
    %dma_wait3A_78 = arith.constant 0 : i32
    %dma_wait3A_79 = arith.constant 0 : i32
    %dma_wait3A_80 = tpu.memref_slice %arg5[%dma_wait3A_78, %dma_wait3A_79] : memref<100000x128xf32, #tpu.memory_space<hbm>> -> memref<100000x128xf32, #tpu.memory_space<hbm>>
    tpu.wait_indirect_dma semaphore(%arg10 : memref<!tpu.dma_semaphore, #tpu.memory_space<semaphore_mem>>) src(%dma_wait3A_80 : memref<100000x128xf32, #tpu.memory_space<hbm>>) dst(%dma_wait3A_74 : memref<128x128xf32, #tpu.memory_space<vmem>>)
    "tpu.region"() ({
      %run_scoped3A = tpu.sem_alloc : memref<!tpu.dma_semaphore, #tpu.memory_space<semaphore_mem>>
      %dma_start3A_81 = arith.constant 0 : i32
      %dma_start3A_82 = tpu.memref_slice %arg7[%mul3A_2, %dma_start3A_81] : memref<8192x128xf32, #tpu.memory_space<hbm>> -> memref<256x128xf32, #tpu.memory_space<hbm>>
      %dma_start3A_83 = arith.constant 0 : i32
      %dma_start3A_84 = tpu.memref_slice %arg7[%mul3A_2, %dma_start3A_83] : memref<8192x128xf32, #tpu.memory_space<hbm>> -> memref<256x128xf32, #tpu.memory_space<hbm>>
      tpu.enqueue_dma source(%arg9 : memref<256x128xf32, #tpu.memory_space<vmem>>) target(%dma_start3A_84 : memref<256x128xf32, #tpu.memory_space<hbm>>) target_semaphore(%run_scoped3A : memref<!tpu.dma_semaphore, #tpu.memory_space<semaphore_mem>>)
      %dma_wait3A_85 = arith.constant 0 : i32
      %dma_wait3A_86 = tpu.memref_slice %arg7[%mul3A_2, %dma_wait3A_85] : memref<8192x128xf32, #tpu.memory_space<hbm>> -> memref<256x128xf32, #tpu.memory_space<hbm>>
      %dma_wait3A_87 = arith.constant 0 : i32
      %dma_wait3A_88 = tpu.memref_slice %arg7[%mul3A_2, %dma_wait3A_87] : memref<8192x128xf32, #tpu.memory_space<hbm>> -> memref<256x128xf32, #tpu.memory_space<hbm>>
      tpu.wait_dma2 semaphore(%run_scoped3A : memref<!tpu.dma_semaphore, #tpu.memory_space<semaphore_mem>>) src(%arg9 : memref<256x128xf32, #tpu.memory_space<vmem>>) dst(%dma_wait3A_88 : memref<256x128xf32, #tpu.memory_space<hbm>>)
      tpu.yield
    }) : () -> ()
    return
  }
}

#map = affine_map<(d0, d1) -> (0, 0, 0)>
#map1 = affine_map<(d0, d1) -> (0, 0)>
module attributes {stable_mosaic.version = 14 : i64} {
  func.func @_gather_body(%arg0: i32, %arg1: i32, %arg2: memref<32x2x128xi32, #tpu.memory_space<hbm>>, %arg3: memref<32x2x128xi32, #tpu.memory_space<hbm>>, %arg4: memref<100000x128xf32, #tpu.memory_space<hbm>>, %arg5: memref<100000x128xf32, #tpu.memory_space<hbm>>, %arg6: memref<8192x128xf32, #tpu.memory_space<hbm>>, %arg7: memref<8192x128xf32, #tpu.memory_space<hbm>>, %arg8: memref<2x128xi32, #tpu.memory_space<vmem>>, %arg9: memref<256x128xf32, #tpu.memory_space<vmem>>, %arg10: memref<!tpu.dma_semaphore, #tpu.memory_space<semaphore_mem>>) attributes {dimension_semantics = [#tpu.dimension_semantics<core_parallel>, #tpu.dimension_semantics<subcore_parallel>], iteration_bounds = array<i64: 2, 16>, scalar_prefetch = 0 : i64, scratch_operands = 3 : i64, tpu.core_type = #tpu.core_type<sc_vector_subcore>, window_params = [{transform_indices = #map}, {transform_indices = #map}, {transform_indices = #map1}, {transform_indices = #map1}, {transform_indices = #map1}, {transform_indices = #map1}]} {
    %mul3A = arith.constant 2 : i32
    %mul3A_0 = arith.muli %arg1, %mul3A : i32
    %add3A = arith.addi %mul3A_0, %arg0 : i32
    %mul3A_1 = arith.constant 256 : i32
    %mul3A_2 = arith.muli %add3A, %mul3A_1 : i32
    "tpu.region"() ({
      %run_scoped3A = tpu.sem_alloc : memref<!tpu.dma_semaphore, #tpu.memory_space<semaphore_mem>>
      %dma_start3A_81 = arith.constant 0 : i32
      %dma_start3A_82 = arith.constant 0 : i32
      %dma_start3A_83 = tpu.memref_slice %arg2[%add3A, %dma_start3A_81, %dma_start3A_82] : memref<32x2x128xi32, #tpu.memory_space<hbm>> -> memref<1x2x128xi32, #tpu.memory_space<hbm>>
      %dma_start3A_84 = tpu.memref_squeeze %dma_start3A_83 : memref<1x2x128xi32, #tpu.memory_space<hbm>> -> memref<2x128xi32, #tpu.memory_space<hbm>>
      %dma_start3A_85 = arith.constant 0 : i32
      %dma_start3A_86 = arith.constant 0 : i32
      %dma_start3A_87 = tpu.memref_slice %arg2[%add3A, %dma_start3A_85, %dma_start3A_86] : memref<32x2x128xi32, #tpu.memory_space<hbm>> -> memref<1x2x128xi32, #tpu.memory_space<hbm>>
      %dma_start3A_88 = tpu.memref_squeeze %dma_start3A_87 : memref<1x2x128xi32, #tpu.memory_space<hbm>> -> memref<2x128xi32, #tpu.memory_space<hbm>>
      tpu.enqueue_dma source(%dma_start3A_88 : memref<2x128xi32, #tpu.memory_space<hbm>>) target(%arg8 : memref<2x128xi32, #tpu.memory_space<vmem>>) target_semaphore(%run_scoped3A : memref<!tpu.dma_semaphore, #tpu.memory_space<semaphore_mem>>)
      %dma_wait3A_89 = arith.constant 0 : i32
      %dma_wait3A_90 = arith.constant 0 : i32
      %dma_wait3A_91 = tpu.memref_slice %arg2[%add3A, %dma_wait3A_89, %dma_wait3A_90] : memref<32x2x128xi32, #tpu.memory_space<hbm>> -> memref<1x2x128xi32, #tpu.memory_space<hbm>>
      %dma_wait3A_92 = tpu.memref_squeeze %dma_wait3A_91 : memref<1x2x128xi32, #tpu.memory_space<hbm>> -> memref<2x128xi32, #tpu.memory_space<hbm>>
      %dma_wait3A_93 = arith.constant 0 : i32
      %dma_wait3A_94 = arith.constant 0 : i32
      %dma_wait3A_95 = tpu.memref_slice %arg2[%add3A, %dma_wait3A_93, %dma_wait3A_94] : memref<32x2x128xi32, #tpu.memory_space<hbm>> -> memref<1x2x128xi32, #tpu.memory_space<hbm>>
      %dma_wait3A_96 = tpu.memref_squeeze %dma_wait3A_95 : memref<1x2x128xi32, #tpu.memory_space<hbm>> -> memref<2x128xi32, #tpu.memory_space<hbm>>
      tpu.wait_dma2 semaphore(%run_scoped3A : memref<!tpu.dma_semaphore, #tpu.memory_space<semaphore_mem>>) src(%dma_wait3A_96 : memref<2x128xi32, #tpu.memory_space<hbm>>) dst(%arg8 : memref<2x128xi32, #tpu.memory_space<vmem>>)
      tpu.yield
    }) : () -> ()
    %dma_start3A = arith.constant 0 : i32
    %dma_start3A_3 = arith.constant 0 : i32
    %dma_start3A_4 = arith.constant 0 : i32
    %dma_start3A_5 = tpu.memref_slice %arg9[%dma_start3A_3, %dma_start3A_4] : memref<256x128xf32, #tpu.memory_space<vmem>> -> memref<128x128xf32, #tpu.memory_space<vmem>>
    %dma_start3A_6 = arith.constant 0 : i32
    %dma_start3A_7 = tpu.memref_slice %arg8[%dma_start3A, %dma_start3A_6] : memref<2x128xi32, #tpu.memory_space<vmem>> -> memref<1x128xi32, #tpu.memory_space<vmem>>
    %dma_start3A_8 = tpu.memref_squeeze %dma_start3A_7 : memref<1x128xi32, #tpu.memory_space<vmem>> -> memref<128xi32, #tpu.memory_space<vmem>>
    %dma_start3A_9 = arith.constant 0 : i32
    %dma_start3A_10 = arith.constant 0 : i32
    %dma_start3A_11 = tpu.memref_slice %arg4[%dma_start3A_9, %dma_start3A_10] : memref<100000x128xf32, #tpu.memory_space<hbm>> -> memref<100000x128xf32, #tpu.memory_space<hbm>>
    tpu.enqueue_indirect_dma source(%dma_start3A_11 : memref<100000x128xf32, #tpu.memory_space<hbm>>) target(%dma_start3A_5 : memref<128x128xf32, #tpu.memory_space<vmem>>) offsets(%dma_start3A_8 : memref<128xi32, #tpu.memory_space<vmem>>) semaphore(%arg10 : memref<!tpu.dma_semaphore, #tpu.memory_space<semaphore_mem>>)
    %dma_wait3A = arith.constant 0 : i32
    %dma_wait3A_12 = arith.constant 0 : i32
    %dma_wait3A_13 = arith.constant 0 : i32
    %dma_wait3A_14 = tpu.memref_slice %arg9[%dma_wait3A_12, %dma_wait3A_13] : memref<256x128xf32, #tpu.memory_space<vmem>> -> memref<128x128xf32, #tpu.memory_space<vmem>>
    %dma_wait3A_15 = arith.constant 0 : i32
    %dma_wait3A_16 = tpu.memref_slice %arg8[%dma_wait3A, %dma_wait3A_15] : memref<2x128xi32, #tpu.memory_space<vmem>> -> memref<1x128xi32, #tpu.memory_space<vmem>>
    %dma_wait3A_17 = tpu.memref_squeeze %dma_wait3A_16 : memref<1x128xi32, #tpu.memory_space<vmem>> -> memref<128xi32, #tpu.memory_space<vmem>>
    %dma_wait3A_18 = arith.constant 0 : i32
    %dma_wait3A_19 = arith.constant 0 : i32
    %dma_wait3A_20 = tpu.memref_slice %arg4[%dma_wait3A_18, %dma_wait3A_19] : memref<100000x128xf32, #tpu.memory_space<hbm>> -> memref<100000x128xf32, #tpu.memory_space<hbm>>
    tpu.wait_indirect_dma semaphore(%arg10 : memref<!tpu.dma_semaphore, #tpu.memory_space<semaphore_mem>>) src(%dma_wait3A_20 : memref<100000x128xf32, #tpu.memory_space<hbm>>) dst(%dma_wait3A_14 : memref<128x128xf32, #tpu.memory_space<vmem>>)
    %dma_start3A_21 = arith.constant 1 : i32
    %dma_start3A_22 = arith.constant 128 : i32
    %dma_start3A_23 = arith.constant 0 : i32
    %dma_start3A_24 = tpu.memref_slice %arg9[%dma_start3A_22, %dma_start3A_23] : memref<256x128xf32, #tpu.memory_space<vmem>> -> memref<128x128xf32, #tpu.memory_space<vmem>>
    %dma_start3A_25 = arith.constant 0 : i32
    %dma_start3A_26 = tpu.memref_slice %arg8[%dma_start3A_21, %dma_start3A_25] : memref<2x128xi32, #tpu.memory_space<vmem>> -> memref<1x128xi32, #tpu.memory_space<vmem>>
    %dma_start3A_27 = tpu.memref_squeeze %dma_start3A_26 : memref<1x128xi32, #tpu.memory_space<vmem>> -> memref<128xi32, #tpu.memory_space<vmem>>
    %dma_start3A_28 = arith.constant 0 : i32
    %dma_start3A_29 = arith.constant 0 : i32
    %dma_start3A_30 = tpu.memref_slice %arg4[%dma_start3A_28, %dma_start3A_29] : memref<100000x128xf32, #tpu.memory_space<hbm>> -> memref<100000x128xf32, #tpu.memory_space<hbm>>
    tpu.enqueue_indirect_dma source(%dma_start3A_30 : memref<100000x128xf32, #tpu.memory_space<hbm>>) target(%dma_start3A_24 : memref<128x128xf32, #tpu.memory_space<vmem>>) offsets(%dma_start3A_27 : memref<128xi32, #tpu.memory_space<vmem>>) semaphore(%arg10 : memref<!tpu.dma_semaphore, #tpu.memory_space<semaphore_mem>>)
    %dma_wait3A_31 = arith.constant 1 : i32
    %dma_wait3A_32 = arith.constant 128 : i32
    %dma_wait3A_33 = arith.constant 0 : i32
    %dma_wait3A_34 = tpu.memref_slice %arg9[%dma_wait3A_32, %dma_wait3A_33] : memref<256x128xf32, #tpu.memory_space<vmem>> -> memref<128x128xf32, #tpu.memory_space<vmem>>
    %dma_wait3A_35 = arith.constant 0 : i32
    %dma_wait3A_36 = tpu.memref_slice %arg8[%dma_wait3A_31, %dma_wait3A_35] : memref<2x128xi32, #tpu.memory_space<vmem>> -> memref<1x128xi32, #tpu.memory_space<vmem>>
    %dma_wait3A_37 = tpu.memref_squeeze %dma_wait3A_36 : memref<1x128xi32, #tpu.memory_space<vmem>> -> memref<128xi32, #tpu.memory_space<vmem>>
    %dma_wait3A_38 = arith.constant 0 : i32
    %dma_wait3A_39 = arith.constant 0 : i32
    %dma_wait3A_40 = tpu.memref_slice %arg4[%dma_wait3A_38, %dma_wait3A_39] : memref<100000x128xf32, #tpu.memory_space<hbm>> -> memref<100000x128xf32, #tpu.memory_space<hbm>>
    tpu.wait_indirect_dma semaphore(%arg10 : memref<!tpu.dma_semaphore, #tpu.memory_space<semaphore_mem>>) src(%dma_wait3A_40 : memref<100000x128xf32, #tpu.memory_space<hbm>>) dst(%dma_wait3A_34 : memref<128x128xf32, #tpu.memory_space<vmem>>)
    "tpu.region"() ({
      %run_scoped3A = tpu.sem_alloc : memref<!tpu.dma_semaphore, #tpu.memory_space<semaphore_mem>>
      %dma_start3A_81 = arith.constant 0 : i32
      %dma_start3A_82 = tpu.memref_slice %arg6[%mul3A_2, %dma_start3A_81] : memref<8192x128xf32, #tpu.memory_space<hbm>> -> memref<256x128xf32, #tpu.memory_space<hbm>>
      %dma_start3A_83 = arith.constant 0 : i32
      %dma_start3A_84 = tpu.memref_slice %arg6[%mul3A_2, %dma_start3A_83] : memref<8192x128xf32, #tpu.memory_space<hbm>> -> memref<256x128xf32, #tpu.memory_space<hbm>>
      tpu.enqueue_dma source(%arg9 : memref<256x128xf32, #tpu.memory_space<vmem>>) target(%dma_start3A_84 : memref<256x128xf32, #tpu.memory_space<hbm>>) target_semaphore(%run_scoped3A : memref<!tpu.dma_semaphore, #tpu.memory_space<semaphore_mem>>)
      %dma_wait3A_85 = arith.constant 0 : i32
      %dma_wait3A_86 = tpu.memref_slice %arg6[%mul3A_2, %dma_wait3A_85] : memref<8192x128xf32, #tpu.memory_space<hbm>> -> memref<256x128xf32, #tpu.memory_space<hbm>>
      %dma_wait3A_87 = arith.constant 0 : i32
      %dma_wait3A_88 = tpu.memref_slice %arg6[%mul3A_2, %dma_wait3A_87] : memref<8192x128xf32, #tpu.memory_space<hbm>> -> memref<256x128xf32, #tpu.memory_space<hbm>>
      tpu.wait_dma2 semaphore(%run_scoped3A : memref<!tpu.dma_semaphore, #tpu.memory_space<semaphore_mem>>) src(%arg9 : memref<256x128xf32, #tpu.memory_space<vmem>>) dst(%dma_wait3A_88 : memref<256x128xf32, #tpu.memory_space<hbm>>)
      tpu.yield
    }) : () -> ()
    "tpu.region"() ({
      %run_scoped3A = tpu.sem_alloc : memref<!tpu.dma_semaphore, #tpu.memory_space<semaphore_mem>>
      %dma_start3A_81 = arith.constant 0 : i32
      %dma_start3A_82 = arith.constant 0 : i32
      %dma_start3A_83 = tpu.memref_slice %arg3[%add3A, %dma_start3A_81, %dma_start3A_82] : memref<32x2x128xi32, #tpu.memory_space<hbm>> -> memref<1x2x128xi32, #tpu.memory_space<hbm>>
      %dma_start3A_84 = tpu.memref_squeeze %dma_start3A_83 : memref<1x2x128xi32, #tpu.memory_space<hbm>> -> memref<2x128xi32, #tpu.memory_space<hbm>>
      %dma_start3A_85 = arith.constant 0 : i32
      %dma_start3A_86 = arith.constant 0 : i32
      %dma_start3A_87 = tpu.memref_slice %arg3[%add3A, %dma_start3A_85, %dma_start3A_86] : memref<32x2x128xi32, #tpu.memory_space<hbm>> -> memref<1x2x128xi32, #tpu.memory_space<hbm>>
      %dma_start3A_88 = tpu.memref_squeeze %dma_start3A_87 : memref<1x2x128xi32, #tpu.memory_space<hbm>> -> memref<2x128xi32, #tpu.memory_space<hbm>>
      tpu.enqueue_dma source(%dma_start3A_88 : memref<2x128xi32, #tpu.memory_space<hbm>>) target(%arg8 : memref<2x128xi32, #tpu.memory_space<vmem>>) target_semaphore(%run_scoped3A : memref<!tpu.dma_semaphore, #tpu.memory_space<semaphore_mem>>)
      %dma_wait3A_89 = arith.constant 0 : i32
      %dma_wait3A_90 = arith.constant 0 : i32
      %dma_wait3A_91 = tpu.memref_slice %arg3[%add3A, %dma_wait3A_89, %dma_wait3A_90] : memref<32x2x128xi32, #tpu.memory_space<hbm>> -> memref<1x2x128xi32, #tpu.memory_space<hbm>>
      %dma_wait3A_92 = tpu.memref_squeeze %dma_wait3A_91 : memref<1x2x128xi32, #tpu.memory_space<hbm>> -> memref<2x128xi32, #tpu.memory_space<hbm>>
      %dma_wait3A_93 = arith.constant 0 : i32
      %dma_wait3A_94 = arith.constant 0 : i32
      %dma_wait3A_95 = tpu.memref_slice %arg3[%add3A, %dma_wait3A_93, %dma_wait3A_94] : memref<32x2x128xi32, #tpu.memory_space<hbm>> -> memref<1x2x128xi32, #tpu.memory_space<hbm>>
      %dma_wait3A_96 = tpu.memref_squeeze %dma_wait3A_95 : memref<1x2x128xi32, #tpu.memory_space<hbm>> -> memref<2x128xi32, #tpu.memory_space<hbm>>
      tpu.wait_dma2 semaphore(%run_scoped3A : memref<!tpu.dma_semaphore, #tpu.memory_space<semaphore_mem>>) src(%dma_wait3A_96 : memref<2x128xi32, #tpu.memory_space<hbm>>) dst(%arg8 : memref<2x128xi32, #tpu.memory_space<vmem>>)
      tpu.yield
    }) : () -> ()
    %dma_start3A_41 = arith.constant 0 : i32
    %dma_start3A_42 = arith.constant 0 : i32
    %dma_start3A_43 = arith.constant 0 : i32
    %dma_start3A_44 = tpu.memref_slice %arg9[%dma_start3A_42, %dma_start3A_43] : memref<256x128xf32, #tpu.memory_space<vmem>> -> memref<128x128xf32, #tpu.memory_space<vmem>>
    %dma_start3A_45 = arith.constant 0 : i32
    %dma_start3A_46 = tpu.memref_slice %arg8[%dma_start3A_41, %dma_start3A_45] : memref<2x128xi32, #tpu.memory_space<vmem>> -> memref<1x128xi32, #tpu.memory_space<vmem>>
    %dma_start3A_47 = tpu.memref_squeeze %dma_start3A_46 : memref<1x128xi32, #tpu.memory_space<vmem>> -> memref<128xi32, #tpu.memory_space<vmem>>
    %dma_start3A_48 = arith.constant 0 : i32
    %dma_start3A_49 = arith.constant 0 : i32
    %dma_start3A_50 = tpu.memref_slice %arg5[%dma_start3A_48, %dma_start3A_49] : memref<100000x128xf32, #tpu.memory_space<hbm>> -> memref<100000x128xf32, #tpu.memory_space<hbm>>
    tpu.enqueue_indirect_dma source(%dma_start3A_50 : memref<100000x128xf32, #tpu.memory_space<hbm>>) target(%dma_start3A_44 : memref<128x128xf32, #tpu.memory_space<vmem>>) offsets(%dma_start3A_47 : memref<128xi32, #tpu.memory_space<vmem>>) semaphore(%arg10 : memref<!tpu.dma_semaphore, #tpu.memory_space<semaphore_mem>>)
    %dma_wait3A_51 = arith.constant 0 : i32
    %dma_wait3A_52 = arith.constant 0 : i32
    %dma_wait3A_53 = arith.constant 0 : i32
    %dma_wait3A_54 = tpu.memref_slice %arg9[%dma_wait3A_52, %dma_wait3A_53] : memref<256x128xf32, #tpu.memory_space<vmem>> -> memref<128x128xf32, #tpu.memory_space<vmem>>
    %dma_wait3A_55 = arith.constant 0 : i32
    %dma_wait3A_56 = tpu.memref_slice %arg8[%dma_wait3A_51, %dma_wait3A_55] : memref<2x128xi32, #tpu.memory_space<vmem>> -> memref<1x128xi32, #tpu.memory_space<vmem>>
    %dma_wait3A_57 = tpu.memref_squeeze %dma_wait3A_56 : memref<1x128xi32, #tpu.memory_space<vmem>> -> memref<128xi32, #tpu.memory_space<vmem>>
    %dma_wait3A_58 = arith.constant 0 : i32
    %dma_wait3A_59 = arith.constant 0 : i32
    %dma_wait3A_60 = tpu.memref_slice %arg5[%dma_wait3A_58, %dma_wait3A_59] : memref<100000x128xf32, #tpu.memory_space<hbm>> -> memref<100000x128xf32, #tpu.memory_space<hbm>>
    tpu.wait_indirect_dma semaphore(%arg10 : memref<!tpu.dma_semaphore, #tpu.memory_space<semaphore_mem>>) src(%dma_wait3A_60 : memref<100000x128xf32, #tpu.memory_space<hbm>>) dst(%dma_wait3A_54 : memref<128x128xf32, #tpu.memory_space<vmem>>)
    %dma_start3A_61 = arith.constant 1 : i32
    %dma_start3A_62 = arith.constant 128 : i32
    %dma_start3A_63 = arith.constant 0 : i32
    %dma_start3A_64 = tpu.memref_slice %arg9[%dma_start3A_62, %dma_start3A_63] : memref<256x128xf32, #tpu.memory_space<vmem>> -> memref<128x128xf32, #tpu.memory_space<vmem>>
    %dma_start3A_65 = arith.constant 0 : i32
    %dma_start3A_66 = tpu.memref_slice %arg8[%dma_start3A_61, %dma_start3A_65] : memref<2x128xi32, #tpu.memory_space<vmem>> -> memref<1x128xi32, #tpu.memory_space<vmem>>
    %dma_start3A_67 = tpu.memref_squeeze %dma_start3A_66 : memref<1x128xi32, #tpu.memory_space<vmem>> -> memref<128xi32, #tpu.memory_space<vmem>>
    %dma_start3A_68 = arith.constant 0 : i32
    %dma_start3A_69 = arith.constant 0 : i32
    %dma_start3A_70 = tpu.memref_slice %arg5[%dma_start3A_68, %dma_start3A_69] : memref<100000x128xf32, #tpu.memory_space<hbm>> -> memref<100000x128xf32, #tpu.memory_space<hbm>>
    tpu.enqueue_indirect_dma source(%dma_start3A_70 : memref<100000x128xf32, #tpu.memory_space<hbm>>) target(%dma_start3A_64 : memref<128x128xf32, #tpu.memory_space<vmem>>) offsets(%dma_start3A_67 : memref<128xi32, #tpu.memory_space<vmem>>) semaphore(%arg10 : memref<!tpu.dma_semaphore, #tpu.memory_space<semaphore_mem>>)
    %dma_wait3A_71 = arith.constant 1 : i32
    %dma_wait3A_72 = arith.constant 128 : i32
    %dma_wait3A_73 = arith.constant 0 : i32
    %dma_wait3A_74 = tpu.memref_slice %arg9[%dma_wait3A_72, %dma_wait3A_73] : memref<256x128xf32, #tpu.memory_space<vmem>> -> memref<128x128xf32, #tpu.memory_space<vmem>>
    %dma_wait3A_75 = arith.constant 0 : i32
    %dma_wait3A_76 = tpu.memref_slice %arg8[%dma_wait3A_71, %dma_wait3A_75] : memref<2x128xi32, #tpu.memory_space<vmem>> -> memref<1x128xi32, #tpu.memory_space<vmem>>
    %dma_wait3A_77 = tpu.memref_squeeze %dma_wait3A_76 : memref<1x128xi32, #tpu.memory_space<vmem>> -> memref<128xi32, #tpu.memory_space<vmem>>
    %dma_wait3A_78 = arith.constant 0 : i32
    %dma_wait3A_79 = arith.constant 0 : i32
    %dma_wait3A_80 = tpu.memref_slice %arg5[%dma_wait3A_78, %dma_wait3A_79] : memref<100000x128xf32, #tpu.memory_space<hbm>> -> memref<100000x128xf32, #tpu.memory_space<hbm>>
    tpu.wait_indirect_dma semaphore(%arg10 : memref<!tpu.dma_semaphore, #tpu.memory_space<semaphore_mem>>) src(%dma_wait3A_80 : memref<100000x128xf32, #tpu.memory_space<hbm>>) dst(%dma_wait3A_74 : memref<128x128xf32, #tpu.memory_space<vmem>>)
    "tpu.region"() ({
      %run_scoped3A = tpu.sem_alloc : memref<!tpu.dma_semaphore, #tpu.memory_space<semaphore_mem>>
      %dma_start3A_81 = arith.constant 0 : i32
      %dma_start3A_82 = tpu.memref_slice %arg7[%mul3A_2, %dma_start3A_81] : memref<8192x128xf32, #tpu.memory_space<hbm>> -> memref<256x128xf32, #tpu.memory_space<hbm>>
      %dma_start3A_83 = arith.constant 0 : i32
      %dma_start3A_84 = tpu.memref_slice %arg7[%mul3A_2, %dma_start3A_83] : memref<8192x128xf32, #tpu.memory_space<hbm>> -> memref<256x128xf32, #tpu.memory_space<hbm>>
      tpu.enqueue_dma source(%arg9 : memref<256x128xf32, #tpu.memory_space<vmem>>) target(%dma_start3A_84 : memref<256x128xf32, #tpu.memory_space<hbm>>) target_semaphore(%run_scoped3A : memref<!tpu.dma_semaphore, #tpu.memory_space<semaphore_mem>>)
      %dma_wait3A_85 = arith.constant 0 : i32
      %dma_wait3A_86 = tpu.memref_slice %arg7[%mul3A_2, %dma_wait3A_85] : memref<8192x128xf32, #tpu.memory_space<hbm>> -> memref<256x128xf32, #tpu.memory_space<hbm>>
      %dma_wait3A_87 = arith.constant 0 : i32
      %dma_wait3A_88 = tpu.memref_slice %arg7[%mul3A_2, %dma_wait3A_87] : memref<8192x128xf32, #tpu.memory_space<hbm>> -> memref<256x128xf32, #tpu.memory_space<hbm>>
      tpu.wait_dma2 semaphore(%run_scoped3A : memref<!tpu.dma_semaphore, #tpu.memory_space<semaphore_mem>>) src(%arg9 : memref<256x128xf32, #tpu.memory_space<vmem>>) dst(%dma_wait3A_88 : memref<256x128xf32, #tpu.memory_space<hbm>>)
      tpu.yield
    }) : () -> ()
    return
  }
}

module attributes {stable_mosaic.version = 14 : i64} {
  func.func @_vq_body(%arg0: i32, %arg1: memref<4096x128xf32, #tpu.memory_space<vmem>>, %arg2: memref<4096x128xf32, #tpu.memory_space<vmem>>, %arg3: memref<128x128xf32, #tpu.memory_space<vmem>>, %arg4: memref<1x128xf32, #tpu.memory_space<vmem>>, %arg5: memref<128x128xbf16, #tpu.memory_space<vmem>>, %arg6: memref<128x128xbf16, #tpu.memory_space<vmem>>, %arg7: memref<128x128xbf16, #tpu.memory_space<vmem>>, %arg8: memref<128x128xf32, #tpu.memory_space<vmem>>, %arg9: memref<1x128xf32, #tpu.memory_space<vmem>>, %arg10: memref<128x128xbf16, #tpu.memory_space<vmem>>, %arg11: memref<128x128xbf16, #tpu.memory_space<vmem>>, %arg12: memref<128x128xbf16, #tpu.memory_space<vmem>>, %arg13: memref<32x128xf32, #tpu.memory_space<vmem>>, %arg14: memref<1x1xf32, #tpu.memory_space<smem>>) attributes {dimension_semantics = [#tpu.dimension_semantics<arbitrary>], iteration_bounds = array<i64: 2>, scalar_prefetch = 0 : i64, scratch_operands = 0 : i64, tpu.core_type = #tpu.core_type<tc>, window_params = [{transform_indices = @transform_0, window_bounds = array<i64: 4096, 128>}, {transform_indices = @transform_1, window_bounds = array<i64: 4096, 128>}, {pipeline_mode = #tpu.pipeline_mode<synchronous>, transform_indices = @transform_2, window_bounds = array<i64: 128, 128>}, {pipeline_mode = #tpu.pipeline_mode<synchronous>, transform_indices = @transform_3, window_bounds = array<i64: 1, 128>}, {pipeline_mode = #tpu.pipeline_mode<synchronous>, transform_indices = @transform_4, window_bounds = array<i64: 128, 128>}, {pipeline_mode = #tpu.pipeline_mode<synchronous>, transform_indices = @transform_5, window_bounds = array<i64: 128, 128>}, {pipeline_mode = #tpu.pipeline_mode<synchronous>, transform_indices = @transform_6, window_bounds = array<i64: 128, 128>}, {pipeline_mode = #tpu.pipeline_mode<synchronous>, transform_indices = @transform_7, window_bounds = array<i64: 128, 128>}, {pipeline_mode = #tpu.pipeline_mode<synchronous>, transform_indices = @transform_8, window_bounds = array<i64: 1, 128>}, {pipeline_mode = #tpu.pipeline_mode<synchronous>, transform_indices = @transform_9, window_bounds = array<i64: 128, 128>}, {pipeline_mode = #tpu.pipeline_mode<synchronous>, transform_indices = @transform_10, window_bounds = array<i64: 128, 128>}, {pipeline_mode = #tpu.pipeline_mode<synchronous>, transform_indices = @transform_11, window_bounds = array<i64: 128, 128>}, {transform_indices = @transform_12, window_bounds = array<i64: 32, 128>}, {transform_indices = @transform_13, window_bounds = array<i64: 1, 1>}]} {
    %get3A = arith.constant 0 : index
    %get3A_0 = arith.constant 0 : index
    %get3A_1 = vector.load %arg2[%get3A, %get3A_0] : memref<4096x128xf32, #tpu.memory_space<vmem>>, vector<4096x128xf32>
    %get3A_2 = arith.constant 0 : index
    %get3A_3 = arith.constant 0 : index
    %get3A_4 = vector.load %arg1[%get3A_2, %get3A_3] : memref<4096x128xf32, #tpu.memory_space<vmem>>, vector<4096x128xf32>
    %get3A_5 = arith.constant 0 : index
    %get3A_6 = arith.constant 0 : index
    %get3A_7 = vector.load %arg3[%get3A_5, %get3A_6] : memref<128x128xf32, #tpu.memory_space<vmem>>, vector<128x128xf32>
    %mul3A = arith.mulf %get3A_1, %get3A_1 : vector<4096x128xf32>
    %reduce_sum3A = arith.constant dense<0.000000e+00> : vector<4096xf32>
    %reduce_sum3A_8 = vector.multi_reduction <add>, %mul3A, %reduce_sum3A [1] : vector<4096x128xf32> to vector<4096xf32>
    %broadcast_in_dim3A = vector.shape_cast %reduce_sum3A_8 : vector<4096xf32> to vector<4096x1xf32>
    %dot_general3A = arith.constant dense<0.000000e+00> : vector<4096x128xf32>
    %dot_general3A_9 = tpu.matmul %get3A_1, %get3A_7, %dot_general3A {dimension_numbers = #tpu.dot_dimension_numbers<[1], [1], [0], [0], [0, 0, 1, 0], [], []>, transpose_lhs_hint = false} : vector<4096x128xf32>, vector<128x128xf32>, vector<4096x128xf32> -> vector<4096x128xf32>
    %mul3A_10 = arith.constant 2.000000e+00 : f32
    %mul3A_11 = vector.broadcast %mul3A_10 : f32 to vector<4096x128xf32>
    %mul3A_12 = arith.mulf %mul3A_11, %dot_general3A_9 : vector<4096x128xf32>
    %sub3A = vector.broadcast %broadcast_in_dim3A : vector<4096x1xf32> to vector<4096x128xf32>
    %sub3A_13 = arith.subf %sub3A, %mul3A_12 : vector<4096x128xf32>
    %get3A_14 = arith.constant 0 : index
    %get3A_15 = arith.constant 0 : index
    %get3A_16 = vector.load %arg4[%get3A_14, %get3A_15] : memref<1x128xf32, #tpu.memory_space<vmem>>, vector<1x128xf32>
    %add3A = vector.broadcast %get3A_16 : vector<1x128xf32> to vector<4096x128xf32>
    %add3A_17 = arith.addf %sub3A_13, %add3A : vector<4096x128xf32>
    %reduce_min3A = arith.constant dense<0x7F800000> : vector<4096xf32>
    %reduce_min3A_18 = vector.multi_reduction <minimumf>, %add3A_17, %reduce_min3A [1] : vector<4096x128xf32> to vector<4096xf32>
    %broadcast_in_dim3A_19 = vector.shape_cast %reduce_min3A_18 : vector<4096xf32> to vector<4096x1xf32>
    %iota3A = tpu.iota {dimensions = array<i32: 1>} : vector<4096x128xi32>
    %convert_element_type3A = arith.sitofp %iota3A : vector<4096x128xi32> to vector<4096x128xf32>
    %eq3A = vector.broadcast %broadcast_in_dim3A_19 : vector<4096x1xf32> to vector<4096x128xf32>
    %eq3A_20 = arith.cmpf oeq, %add3A_17, %eq3A : vector<4096x128xf32>
    %jit3A = arith.constant 1.280000e+02 : f32
    %broadcast_in_dim3A_21 = vector.broadcast %jit3A : f32 to vector<4096x128xf32>
    %select_n3A = arith.select %eq3A_20, %convert_element_type3A, %broadcast_in_dim3A_21 : vector<4096x128xi1>, vector<4096x128xf32>
    %reduce_min3A_22 = arith.constant dense<0x7F800000> : vector<4096xf32>
    %reduce_min3A_23 = vector.multi_reduction <minimumf>, %select_n3A, %reduce_min3A_22 [1] : vector<4096x128xf32> to vector<4096xf32>
    %broadcast_in_dim3A_24 = vector.shape_cast %reduce_min3A_23 : vector<4096xf32> to vector<4096x1xf32>
    %eq3A_25 = vector.broadcast %broadcast_in_dim3A_24 : vector<4096x1xf32> to vector<4096x128xf32>
    %eq3A_26 = arith.cmpf oeq, %convert_element_type3A, %eq3A_25 : vector<4096x128xf32>
    %convert_element_type3A_27 = arith.extui %eq3A_26 : vector<4096x128xi1> to vector<4096x128xi32>
    %convert_element_type3A_28 = arith.sitofp %convert_element_type3A_27 : vector<4096x128xi32> to vector<4096x128xf32>
    %convert_element_type3A_29 = arith.truncf %convert_element_type3A_28 : vector<4096x128xf32> to vector<4096x128xbf16>
    %get3A_30 = arith.constant 0 : index
    %get3A_31 = arith.constant 0 : index
    %get3A_32 = vector.load %arg5[%get3A_30, %get3A_31] : memref<128x128xbf16, #tpu.memory_space<vmem>>, vector<128x128xbf16>
    %dot_general3A_33 = arith.constant dense<0.000000e+00> : vector<4096x128xf32>
    %dot_general3A_34 = tpu.matmul %convert_element_type3A_29, %get3A_32, %dot_general3A_33 {dimension_numbers = #tpu.dot_dimension_numbers<[1], [0], [0], [1], [0, 0, 1, 1], [], []>, transpose_lhs_hint = false} : vector<4096x128xbf16>, vector<128x128xbf16>, vector<4096x128xf32> -> vector<4096x128xf32>
    %get3A_35 = arith.constant 0 : index
    %get3A_36 = arith.constant 0 : index
    %get3A_37 = vector.load %arg6[%get3A_35, %get3A_36] : memref<128x128xbf16, #tpu.memory_space<vmem>>, vector<128x128xbf16>
    %dot_general3A_38 = arith.constant dense<0.000000e+00> : vector<4096x128xf32>
    %dot_general3A_39 = tpu.matmul %convert_element_type3A_29, %get3A_37, %dot_general3A_38 {dimension_numbers = #tpu.dot_dimension_numbers<[1], [0], [0], [1], [0, 0, 1, 1], [], []>, transpose_lhs_hint = false} : vector<4096x128xbf16>, vector<128x128xbf16>, vector<4096x128xf32> -> vector<4096x128xf32>
    %get3A_40 = arith.constant 0 : index
    %get3A_41 = arith.constant 0 : index
    %get3A_42 = vector.load %arg7[%get3A_40, %get3A_41] : memref<128x128xbf16, #tpu.memory_space<vmem>>, vector<128x128xbf16>
    %dot_general3A_43 = arith.constant dense<0.000000e+00> : vector<4096x128xf32>
    %dot_general3A_44 = tpu.matmul %convert_element_type3A_29, %get3A_42, %dot_general3A_43 {dimension_numbers = #tpu.dot_dimension_numbers<[1], [0], [0], [1], [0, 0, 1, 1], [], []>, transpose_lhs_hint = false} : vector<4096x128xbf16>, vector<128x128xbf16>, vector<4096x128xf32> -> vector<4096x128xf32>
    %add3A_45 = arith.addf %dot_general3A_39, %dot_general3A_44 : vector<4096x128xf32>
    %add3A_46 = arith.addf %dot_general3A_34, %add3A_45 : vector<4096x128xf32>
    %sub3A_47 = arith.subf %get3A_1, %add3A_46 : vector<4096x128xf32>
    %get3A_48 = arith.constant 0 : index
    %get3A_49 = arith.constant 0 : index
    %get3A_50 = vector.load %arg8[%get3A_48, %get3A_49] : memref<128x128xf32, #tpu.memory_space<vmem>>, vector<128x128xf32>
    %mul3A_51 = arith.mulf %sub3A_47, %sub3A_47 : vector<4096x128xf32>
    %reduce_sum3A_52 = arith.constant dense<0.000000e+00> : vector<4096xf32>
    %reduce_sum3A_53 = vector.multi_reduction <add>, %mul3A_51, %reduce_sum3A_52 [1] : vector<4096x128xf32> to vector<4096xf32>
    %broadcast_in_dim3A_54 = vector.shape_cast %reduce_sum3A_53 : vector<4096xf32> to vector<4096x1xf32>
    %dot_general3A_55 = arith.constant dense<0.000000e+00> : vector<4096x128xf32>
    %dot_general3A_56 = tpu.matmul %sub3A_47, %get3A_50, %dot_general3A_55 {dimension_numbers = #tpu.dot_dimension_numbers<[1], [1], [0], [0], [0, 0, 1, 0], [], []>, transpose_lhs_hint = false} : vector<4096x128xf32>, vector<128x128xf32>, vector<4096x128xf32> -> vector<4096x128xf32>
    %mul3A_57 = arith.constant 2.000000e+00 : f32
    %mul3A_58 = vector.broadcast %mul3A_57 : f32 to vector<4096x128xf32>
    %mul3A_59 = arith.mulf %mul3A_58, %dot_general3A_56 : vector<4096x128xf32>
    %sub3A_60 = vector.broadcast %broadcast_in_dim3A_54 : vector<4096x1xf32> to vector<4096x128xf32>
    %sub3A_61 = arith.subf %sub3A_60, %mul3A_59 : vector<4096x128xf32>
    %get3A_62 = arith.constant 0 : index
    %get3A_63 = arith.constant 0 : index
    %get3A_64 = vector.load %arg9[%get3A_62, %get3A_63] : memref<1x128xf32, #tpu.memory_space<vmem>>, vector<1x128xf32>
    %add3A_65 = vector.broadcast %get3A_64 : vector<1x128xf32> to vector<4096x128xf32>
    %add3A_66 = arith.addf %sub3A_61, %add3A_65 : vector<4096x128xf32>
    %reduce_min3A_67 = arith.constant dense<0x7F800000> : vector<4096xf32>
    %reduce_min3A_68 = vector.multi_reduction <minimumf>, %add3A_66, %reduce_min3A_67 [1] : vector<4096x128xf32> to vector<4096xf32>
    %broadcast_in_dim3A_69 = vector.shape_cast %reduce_min3A_68 : vector<4096xf32> to vector<4096x1xf32>
    %iota3A_70 = tpu.iota {dimensions = array<i32: 1>} : vector<4096x128xi32>
    %convert_element_type3A_71 = arith.sitofp %iota3A_70 : vector<4096x128xi32> to vector<4096x128xf32>
    %eq3A_72 = vector.broadcast %broadcast_in_dim3A_69 : vector<4096x1xf32> to vector<4096x128xf32>
    %eq3A_73 = arith.cmpf oeq, %add3A_66, %eq3A_72 : vector<4096x128xf32>
    %jit3A_74 = arith.constant 1.280000e+02 : f32
    %broadcast_in_dim3A_75 = vector.broadcast %jit3A_74 : f32 to vector<4096x128xf32>
    %select_n3A_76 = arith.select %eq3A_73, %convert_element_type3A_71, %broadcast_in_dim3A_75 : vector<4096x128xi1>, vector<4096x128xf32>
    %reduce_min3A_77 = arith.constant dense<0x7F800000> : vector<4096xf32>
    %reduce_min3A_78 = vector.multi_reduction <minimumf>, %select_n3A_76, %reduce_min3A_77 [1] : vector<4096x128xf32> to vector<4096xf32>
    %broadcast_in_dim3A_79 = vector.shape_cast %reduce_min3A_78 : vector<4096xf32> to vector<4096x1xf32>
    %eq3A_80 = vector.broadcast %broadcast_in_dim3A_79 : vector<4096x1xf32> to vector<4096x128xf32>
    %eq3A_81 = arith.cmpf oeq, %convert_element_type3A_71, %eq3A_80 : vector<4096x128xf32>
    %convert_element_type3A_82 = arith.extui %eq3A_81 : vector<4096x128xi1> to vector<4096x128xi32>
    %convert_element_type3A_83 = arith.sitofp %convert_element_type3A_82 : vector<4096x128xi32> to vector<4096x128xf32>
    %convert_element_type3A_84 = arith.truncf %convert_element_type3A_83 : vector<4096x128xf32> to vector<4096x128xbf16>
    %get3A_85 = arith.constant 0 : index
    %get3A_86 = arith.constant 0 : index
    %get3A_87 = vector.load %arg10[%get3A_85, %get3A_86] : memref<128x128xbf16, #tpu.memory_space<vmem>>, vector<128x128xbf16>
    %dot_general3A_88 = arith.constant dense<0.000000e+00> : vector<4096x128xf32>
    %dot_general3A_89 = tpu.matmul %convert_element_type3A_84, %get3A_87, %dot_general3A_88 {dimension_numbers = #tpu.dot_dimension_numbers<[1], [0], [0], [1], [0, 0, 1, 1], [], []>, transpose_lhs_hint = false} : vector<4096x128xbf16>, vector<128x128xbf16>, vector<4096x128xf32> -> vector<4096x128xf32>
    %get3A_90 = arith.constant 0 : index
    %get3A_91 = arith.constant 0 : index
    %get3A_92 = vector.load %arg11[%get3A_90, %get3A_91] : memref<128x128xbf16, #tpu.memory_space<vmem>>, vector<128x128xbf16>
    %dot_general3A_93 = arith.constant dense<0.000000e+00> : vector<4096x128xf32>
    %dot_general3A_94 = tpu.matmul %convert_element_type3A_84, %get3A_92, %dot_general3A_93 {dimension_numbers = #tpu.dot_dimension_numbers<[1], [0], [0], [1], [0, 0, 1, 1], [], []>, transpose_lhs_hint = false} : vector<4096x128xbf16>, vector<128x128xbf16>, vector<4096x128xf32> -> vector<4096x128xf32>
    %get3A_95 = arith.constant 0 : index
    %get3A_96 = arith.constant 0 : index
    %get3A_97 = vector.load %arg12[%get3A_95, %get3A_96] : memref<128x128xbf16, #tpu.memory_space<vmem>>, vector<128x128xbf16>
    %dot_general3A_98 = arith.constant dense<0.000000e+00> : vector<4096x128xf32>
    %dot_general3A_99 = tpu.matmul %convert_element_type3A_84, %get3A_97, %dot_general3A_98 {dimension_numbers = #tpu.dot_dimension_numbers<[1], [0], [0], [1], [0, 0, 1, 1], [], []>, transpose_lhs_hint = false} : vector<4096x128xbf16>, vector<128x128xbf16>, vector<4096x128xf32> -> vector<4096x128xf32>
    %add3A_100 = arith.addf %dot_general3A_94, %dot_general3A_99 : vector<4096x128xf32>
    %add3A_101 = arith.addf %dot_general3A_89, %add3A_100 : vector<4096x128xf32>
    %add3A_102 = arith.addf %get3A_1, %add3A_46 : vector<4096x128xf32>
    %add3A_103 = arith.addf %add3A_102, %add3A_101 : vector<4096x128xf32>
    %mul3A_104 = arith.mulf %get3A_4, %add3A_103 : vector<4096x128xf32>
    %reshape3A = vector.shape_cast %mul3A_104 : vector<4096x128xf32> to vector<32x128x128xf32>
    %broadcast_in_dim3A_105 = arith.constant 1.000000e+00 : f32
    %broadcast_in_dim3A_106 = vector.broadcast %broadcast_in_dim3A_105 : f32 to vector<32x1x128xf32>
    %dot_general3A_107 = arith.constant dense<0.000000e+00> : vector<32x1x128xf32>
    %dot_general3A_108 = tpu.matmul %broadcast_in_dim3A_106, %reshape3A, %dot_general3A_107 {dimension_numbers = #tpu.dot_dimension_numbers<[2], [2], [1], [1], [0, 0, 0, 1, 1, 1], [0], [0]>, transpose_lhs_hint = false} : vector<32x1x128xf32>, vector<32x128x128xf32>, vector<32x1x128xf32> -> vector<32x1x128xf32>
    %reshape3A_109 = vector.shape_cast %dot_general3A_108 : vector<32x1x128xf32> to vector<32x128xf32>
    %swap3A = arith.constant 0 : index
    %swap3A_110 = arith.constant 0 : index
    %swap3A_111 = vector.load %arg13[%swap3A, %swap3A_110] : memref<32x128xf32, #tpu.memory_space<vmem>>, vector<32x128xf32>
    tpu.vector_store %arg13[%swap3A, %swap3A_110], %reshape3A_109 {strides = array<i32>} : memref<32x128xf32, #tpu.memory_space<vmem>>, vector<32x128xf32>,
    %add3A_112 = arith.addf %broadcast_in_dim3A_19, %broadcast_in_dim3A_69 : vector<4096x1xf32>
    %reshape3A_113 = vector.shape_cast %add3A_112 : vector<4096x1xf32> to vector<32x128x1xf32>
    %dot_general3A_114 = arith.constant dense<0.000000e+00> : vector<32x1x1xf32>
    %dot_general3A_115 = tpu.matmul %broadcast_in_dim3A_106, %reshape3A_113, %dot_general3A_114 {dimension_numbers = #tpu.dot_dimension_numbers<[2], [1], [1], [2], [0, 0, 0, 1, 1, 2], [0], [0]>, transpose_lhs_hint = false} : vector<32x1x128xf32>, vector<32x128x1xf32>, vector<32x1x1xf32> -> vector<32x1x1xf32>
    %reduce_sum3A_116 = vector.shape_cast %dot_general3A_115 : vector<32x1x1xf32> to vector<1x32x1x1xf32>
    %reduce_sum3A_117 = arith.constant dense<0.000000e+00> : vector<1xf32>
    %reduce_sum3A_118 = vector.multi_reduction <add>, %reduce_sum3A_116, %reduce_sum3A_117 [1, 2, 3] : vector<1x32x1x1xf32> to vector<1xf32>
    %reduce_sum3A_119 = vector.shape_cast %reduce_sum3A_118 : vector<1xf32> to vector<1x1x1x1xf32>
    %reduce_sum3A_120 = vector.extract %reduce_sum3A_119[0, 0, 0, 0] : f32 from vector<1x1x1x1xf32>
    %eq3A_121 = arith.constant 0 : i32
    %eq3A_122 = arith.cmpi eq, %arg0, %eq3A_121 : i32
    %convert_element_type3A_123 = arith.extui %eq3A_122 : i1 to i32
    %cond3A = arith.constant 0 : i32
    %cond3A_124 = arith.cmpi ne, %convert_element_type3A_123, %cond3A : i32
    scf.if %cond3A_124 {
      %swap3A_132 = arith.constant 0.000000e+00 : f32
      %swap3A_133 = arith.constant 0 : index
      %swap3A_134 = arith.constant 0 : index
      %swap3A_135 = memref.load %arg14[%swap3A_133, %swap3A_134] : memref<1x1xf32, #tpu.memory_space<smem>>
      memref.store %swap3A_132, %arg14[%swap3A_133, %swap3A_134] : memref<1x1xf32, #tpu.memory_space<smem>>
    } else {
    }
    %get3A_125 = arith.constant 0 : index
    %get3A_126 = arith.constant 0 : index
    %get3A_127 = memref.load %arg14[%get3A_125, %get3A_126] : memref<1x1xf32, #tpu.memory_space<smem>>
    %add3A_128 = arith.addf %get3A_127, %reduce_sum3A_120 : f32
    %swap3A_129 = arith.constant 0 : index
    %swap3A_130 = arith.constant 0 : index
    %swap3A_131 = memref.load %arg14[%swap3A_129, %swap3A_130] : memref<1x1xf32, #tpu.memory_space<smem>>
    memref.store %add3A_128, %arg14[%swap3A_129, %swap3A_130] : memref<1x1xf32, #tpu.memory_space<smem>>
    return
  }
  func.func @transform_0(%arg0: i32) -> (i32, i32) {
    %c0_i32 = arith.constant 0 : i32
    %c0_i32_0 = arith.constant 0 : i32
    return %arg0, %c0_i32 : i32, i32
  }
  func.func @transform_1(%arg0: i32) -> (i32, i32) {
    %c0_i32 = arith.constant 0 : i32
    %c0_i32_0 = arith.constant 0 : i32
    return %arg0, %c0_i32 : i32, i32
  }
  func.func @transform_2(%arg0: i32) -> (i32, i32) {
    %c0_i32 = arith.constant 0 : i32
    %c0_i32_0 = arith.constant 0 : i32
    %c0_i32_1 = arith.constant 0 : i32
    return %c0_i32, %c0_i32_0 : i32, i32
  }
  func.func @transform_3(%arg0: i32) -> (i32, i32) {
    %c0_i32 = arith.constant 0 : i32
    %c0_i32_0 = arith.constant 0 : i32
    %c0_i32_1 = arith.constant 0 : i32
    return %c0_i32, %c0_i32_0 : i32, i32
  }
  func.func @transform_4(%arg0: i32) -> (i32, i32) {
    %c0_i32 = arith.constant 0 : i32
    %c0_i32_0 = arith.constant 0 : i32
    %c0_i32_1 = arith.constant 0 : i32
    return %c0_i32, %c0_i32_0 : i32, i32
  }
  func.func @transform_5(%arg0: i32) -> (i32, i32) {
    %c0_i32 = arith.constant 0 : i32
    %c0_i32_0 = arith.constant 0 : i32
    %c0_i32_1 = arith.constant 0 : i32
    return %c0_i32, %c0_i32_0 : i32, i32
  }
  func.func @transform_6(%arg0: i32) -> (i32, i32) {
    %c0_i32 = arith.constant 0 : i32
    %c0_i32_0 = arith.constant 0 : i32
    %c0_i32_1 = arith.constant 0 : i32
    return %c0_i32, %c0_i32_0 : i32, i32
  }
  func.func @transform_7(%arg0: i32) -> (i32, i32) {
    %c0_i32 = arith.constant 0 : i32
    %c0_i32_0 = arith.constant 0 : i32
    %c0_i32_1 = arith.constant 0 : i32
    return %c0_i32, %c0_i32_0 : i32, i32
  }
  func.func @transform_8(%arg0: i32) -> (i32, i32) {
    %c0_i32 = arith.constant 0 : i32
    %c0_i32_0 = arith.constant 0 : i32
    %c0_i32_1 = arith.constant 0 : i32
    return %c0_i32, %c0_i32_0 : i32, i32
  }
  func.func @transform_9(%arg0: i32) -> (i32, i32) {
    %c0_i32 = arith.constant 0 : i32
    %c0_i32_0 = arith.constant 0 : i32
    %c0_i32_1 = arith.constant 0 : i32
    return %c0_i32, %c0_i32_0 : i32, i32
  }
  func.func @transform_10(%arg0: i32) -> (i32, i32) {
    %c0_i32 = arith.constant 0 : i32
    %c0_i32_0 = arith.constant 0 : i32
    %c0_i32_1 = arith.constant 0 : i32
    return %c0_i32, %c0_i32_0 : i32, i32
  }
  func.func @transform_11(%arg0: i32) -> (i32, i32) {
    %c0_i32 = arith.constant 0 : i32
    %c0_i32_0 = arith.constant 0 : i32
    %c0_i32_1 = arith.constant 0 : i32
    return %c0_i32, %c0_i32_0 : i32, i32
  }
  func.func @transform_12(%arg0: i32) -> (i32, i32) {
    %c0_i32 = arith.constant 0 : i32
    %c0_i32_0 = arith.constant 0 : i32
    return %arg0, %c0_i32 : i32, i32
  }
  func.func @transform_13(%arg0: i32) -> (i32, i32) {
    %c0_i32 = arith.constant 0 : i32
    %c0_i32_0 = arith.constant 0 : i32
    %c0_i32_1 = arith.constant 0 : i32
    return %c0_i32, %c0_i32_0 : i32, i32
  }
}

</mosaic_0001>

<sc_bundles>
// kernel: kernel.6.cloned.1.call-start
scs
__scs_entry_jumppad:
0x0: {  	(pc) =	sbr.rel $0x88, $3  }
0x1: {  	(tag) =	ssettag $0x0;
	lr =	simm.s32 $0x1  }
0x2: {  	[smem:$0x3F9B] =	sst lr;
	_ =	strace $0xD0000000  }
0x3: {  	_ = 	snop  }
0x4: {  	_ = 	snop  }
0x5: {  	_ = 	snop  }
0x6: {  	_ = 	snop  }
0x7: {  	_ = 	snop  }
__scs_overlays_trampoline_lowered:
0x8: {  	[smem:$0x3FAA] =	sst s0  }
0x9: {  	[smem:$0x3FAB] =	sst s1  }
0xa: {  	[smem:$0x3FAC] =	sst s2  }
0xb: {  	[smem:$0x3FAD] =	sst s3  }
0xc: {  	[smem:$0x3FAE] =	sst s4  }
0xd: {  	[smem:$0x3FAF] =	sst s5  }
0xe: {  	[smem:$0x3FB0] =	sst s6  }
0xf: {  	[smem:$0x3FB1] =	sst s7  }
0x10: {  	[smem:$0x3FB2] =	sst s8  }
0x11: {  	[smem:$0x3FB3] =	sst s9;
	s0 =	simm.s32 @!p0 $0x0  }
0x12: {  	s1 =	sld [smem:$0x3F99];
	s0 =	simm.s32 @p0 $0x1  }
0x13: {  	[smem:$0x3FB4] =	sst s0;
	s0 =	simm.s32 @!p1 $0x0  }
0x14: {  	s2 =	sld [smem:$0x3F98];
	s0 =	simm.s32 @p1 $0x1  }
0x15: {  	[smem:$0x3FB5] =	sst s0;
	s0 =	simm.s32 @!p2 $0x0  }
0x16: {  	s3 =	sld [smem:$0x3FDB];
	s0 =	simm.s32 @p2 $0x1  }
0x17: {  	s4 =	simm.s32 $0x1BF5;
	[smem:$0x3FB7] =	sst s0  }
0x18: {  	s0 =	sld [smem:$0x3F9A];
	_ =	swait.ge [sflag:s4], $0x0  }
0x19: {  	s7 =	sld [smem:$0x3F9B]  }
0x1a: {  	s8 =	sadd.s32 $0xFFFFE003, lr  }
0x1b: {  	s9 =	sadd.s32 $0xFFFFFEF7, lr;
	s5 =	simm.s32 $0xFFFFFFFF;
	p2 =	slt.u32 s8, $0xFFFFF086  }
0x1c: {  	p1 =	slt.u32 s9, $0xF7A;
	s5 =	simm.s32 @!p2 $0x0  }
0x1d: {  	s5 =	simm.s32 @p1 $0x1;
	p0 =	seq.s32 s7, s2  }
0x1e: {  	s7 =	smul.u32 @!p0 $0xF7A, s2;
	p2 =	seq.s32 @!p0 s5, $0x0  }
0x1f: {  	s9 =	smul.u32 $0xF7A, s1;
	s8 =	simm.s32 @!p0 $0x1BF5;
	p2 =	por !p2, p0  }
0x20: {  	[sflag:s8] =	ssyncset.s32 @!p0 $0xFFFFF086;
	s6 =	sadd.s32 @!p0 s3, s7;
	s7 =	simm.s32 @!p0 $0x108  }
0x21: {  	s3 =	sadd.s32 s3, s9;
	s6 =	sadd.s32 @!p0 $0x88, s6;
	s7 =	simm.s32 @p2 $0x1082  }
0x22: {  	[simem:s7], [sflag:s8] =	dma.local @!p0 [hbm:s6], $0xF7A  }
0x23: {  	s9 =	sor.u32 $0xD0000000, s2;
	s6 =	simm.s32 $0x108;
	_ =	swait.ge @!p0 [sflag:s8], $0x0  }
0x24: {  	s3 =	sadd.s32 $0x88, s3;
	s6 =	simm.s32 @!p1 $0x1082;
	[sflag:s4] =	ssyncset.s32 $0xFFFFF086  }
0x25: {  	[simem:s6], [sflag:s4] =	dma.local [hbm:s3], $0xF7A  }
0x26: {  	[smem:$0x3F9B] =	sst s1;
	(tag) =	ssettag s2;
	_ =	strace s9  }
0x27: {  	s1 =	sld [smem:$0x3FAB]  }
0x28: {  	s2 =	sld [smem:$0x3FAC]  }
0x29: {  	s4 =	sld [smem:$0x3FAE]  }
0x2a: {  	p0 =	seq.s32 s5, $0x0;
	s5 =	sld [smem:$0x3FAF]  }
0x2b: {  	s6 =	sld [smem:$0x3FB0]  }
0x2c: {  	s7 =	sld [smem:$0x3FB1]  }
0x2d: {  	s3 =	simm.s32 $0x108;
	s8 =	sld [smem:$0x3FB2]  }
0x2e: {  	s3 =	simm.s32 @!p0 $0x1082;
	s9 =	sld [smem:$0x3FB3]  }
0x2f: {  	lr =	sadd.s32 s0, s3;
	s0 =	sld [smem:$0x3FAA]  }
0x30: {  	s3 =	sld [smem:$0x3FAD]  }
0x31: {  	[smem:$0x3FB6] =	sst s10  }
0x32: {  	s10 =	sld [smem:$0x3FB4];
	_ =	sdelay $0x3  }
0x33: {  	p0 =	seq.s32 s10, $0x1;
	s10 =	sld [smem:$0x3FB6];
	_ =	sdelay $0x3  }
0x34: {  	[smem:$0x3FB6] =	sst s10  }
0x35: {  	s10 =	sld [smem:$0x3FB5];
	_ =	sdelay $0x3  }
0x36: {  	p1 =	seq.s32 s10, $0x1;
	s10 =	sld [smem:$0x3FB6];
	_ =	sdelay $0x3  }
0x37: {  	[smem:$0x3FB6] =	sst s10  }
0x38: {  	s10 =	sld [smem:$0x3FB7]  }
0x39: {  	_ = 	snop;
	(pc) =	sbr.ind lr, $3  }
0x3a: {  	_ = 	snop  }
0x3b: {  	_ = 	snop  }
0x3c: {  	p2 =	seq.s32 s10, $0x1;
	s10 =	sld [smem:$0x3FB6]  }
0x3d: {  	_ =	shalt  }
0x3e: {  	_ =	shalt  }
0x3f: {  	_ =	shalt  }
0x40: {  	_ =	shalt  }
0x41: {  	_ =	shalt  }
0x42: {  	_ =	shalt  }
0x43: {  	_ =	shalt  }
0x44: {  	_ =	shalt  }
0x45: {  	_ =	shalt  }
0x46: {  	_ =	shalt  }
0x47: {  	_ =	shalt  }
0x48: {  	_ =	shalt  }
0x49: {  	_ =	shalt  }
0x4a: {  	_ =	shalt  }
0x4b: {  	_ =	shalt  }
0x4c: {  	_ =	shalt  }
0x4d: {  	_ =	shalt  }
0x4e: {  	_ =	shalt  }
0x4f: {  	_ =	shalt  }
0x50: {  	_ =	shalt  }
0x51: {  	_ =	shalt  }
0x52: {  	_ =	shalt  }
0x53: {  	_ =	shalt  }
0x54: {  	_ =	shalt  }
0x55: {  	_ =	shalt  }
0x56: {  	_ =	shalt  }
0x57: {  	_ =	shalt  }
0x58: {  	_ =	shalt  }
0x59: {  	_ =	shalt  }
0x5a: {  	_ =	shalt  }
0x5b: {  	_ =	shalt  }
0x5c: {  	_ =	shalt  }
0x5d: {  	_ =	shalt  }
0x5e: {  	_ =	shalt  }
0x5f: {  	_ =	shalt  }
0x60: {  	_ =	shalt  }
0x61: {  	_ =	shalt  }
0x62: {  	_ =	shalt  }
0x63: {  	_ =	shalt  }
0x64: {  	_ =	shalt  }
0x65: {  	_ =	shalt  }
0x66: {  	_ =	shalt  }
0x67: {  	_ =	shalt  }
0x68: {  	_ =	shalt  }
0x69: {  	_ =	shalt  }
0x6a: {  	_ =	shalt  }
0x6b: {  	_ =	shalt  }
0x6c: {  	_ =	shalt  }
0x6d: {  	_ =	shalt  }
0x6e: {  	_ =	shalt  }
0x6f: {  	_ =	shalt  }
0x70: {  	_ =	shalt  }
0x71: {  	_ =	shalt  }
0x72: {  	_ =	shalt  }
0x73: {  	_ =	shalt  }
0x74: {  	_ =	shalt  }
0x75: {  	_ =	shalt  }
0x76: {  	_ =	shalt  }
0x77: {  	_ =	shalt  }
0x78: {  	_ =	shalt  }
0x79: {  	_ =	shalt  }
0x7a: {  	_ =	shalt  }
0x7b: {  	_ =	shalt  }
0x7c: {  	_ =	shalt  }
0x7d: {  	_ =	shalt  }
0x7e: {  	_ =	shalt  }
0x7f: {  	_ =	shalt  }
0x80: {  	_ =	shalt  }
0x81: {  	_ =	shalt  }
0x82: {  	_ =	shalt  }
0x83: {  	_ =	shalt  }
0x84: {  	_ =	shalt  }
0x85: {  	_ =	shalt  }
0x86: {  	_ =	shalt  }
0x87: {  	_ =	shalt  }
.Lfunc_end0:
.L_simem_size_0:
called_computation_lowered:
.L_overlay_start_0:
0x88: {  	s2 =	sld [smem:$0x3FD9]  }
0x89: {  	s3 =	sld [smem:$0x3FFE];
	_ =	sdelay $0x1  }
0x8a: {  	s1 =	srdreg.scid  }
0x8b: {  	s0 =	sand.u32 $0x1, s1  }
0x8c: {  	s17 =	sshll.u32 s0, $0xA;
	s2 =	sadd.s32 s3, s2  }
0x8d: {  	s2 =	sadd.s32 s2, s17  }
0x8e: {  	[smem:$0x3FC2] =	sst s2  }
0x8f: {  	_ = 	snop  }
0x90: {  	s18 =	sld [smem:$0x3FC7]  }
0x91: {  	s4 =	sld [smem:$0x3FC6];
	(tm) =	ssettm $0x1  }
0x92: {  	s19 =	sld [smem:$0x3FFB];
	_ =	sdelay $0x3  }
0x93: {  	_ =	strace s19  }
0x94: {  	s2 =	sld [smem:$0x3FFC];
	_ =	sdelay $0x3  }
0x95: {  	_ =	strace s2  }
0x96: {  	s2 =	sld [smem:$0x3FFD];
	_ =	sdelay $0x3  }
0x97: {  	_ =	strace s2  }
0x98: {  	_ =	strace $0x8FFFFFFF  }
0x99: {  	s20 =	sld [smem:$0x3FDB];
	_ =	sdelay $0x1  }
0x9a: {  	s5 =	simm.s32 $_scs_section_size  }
0x9b: {  	s6 =	simm.s32 $_size__tile_overlayer_lowered;
	s7 =	simm.s32 $_tile_overlayer_lowered  }
0x9c: {  	s8 =	simm.s32 $0x1BFF;
	s21 =	sshll.u32 s7, $0x1;
	s5 =	sadd.s32 s5, s20  }
0x9d: {  	s22 =	simm.s32 $0x0;
	s6 =	sshll.u32 s6, $0x1;
	s7 =	sadd.s32 s21, s5  }
0x9e: {  	[timem:s22], [sflag:s8] =	dma.local [hbm:s7], s6  }
0x9f: {  	_ =	swait.ge [sflag:s8], s6  }
0xa0: {  	s6 =	ssub.s32 $0x0, s6;
	[sflag:s8] =	ssyncset.done $0x0  }
0xa1: {  	[sflag:s8] =	ssyncadd.s32 s6;
	_ =	sdelay $0x1  }
0xa2: {  	s23 =	simm.s32 $0x1B8B  }
0xa3: {  	_ =	swait.ge [sflag:s23], $0x1  }
0xa4: {  	[sflag:s23] =	ssyncset.done $0x0  }
0xa5: {  	[sflag:s23] =	ssyncadd.s32 $0xFFFFFFFF  }
0xa6: {  	s6 =	sld [smem:$0x0]  }
0xa7: {  	s7 =	sand.u32 $0xFFFFFFFE, s1  }
0xa8: {  	p0 =	sne.s32 s1, s7  }
0xa9: {  	s7 =	sshll.u32 @p0 s7, $0xE  }
0xaa: {  	s7 =	sadd.s32 @p0 $0x11B8D, s7;
	s8 =	sshll.u32 @p0 s6, $0x11  }
0xab: {  	s7 =	sor.u32 @p0 s8, s7  }
0xac: {  	[sflag:s7] =	ssyncadd.remote.s32 @p0 $0x1;
	_ =	sdelay $0x1  }
0xad: {  	s7 =	simm.s32 @p0 $0x1B8D  }
0xae: {  	_ =	swait.eq @p0 [sflag:s7], $0x1  }
0xaf: {  	[sflag:s7] =	ssyncadd.s32 @p0 $0xFFFFFFFF  }
0xb0: {  	s8 =	sshll.u32 @!p0 s1, $0xE  }
0xb1: {  	s8 =	sor.u32 @!p0 $0x4000, s8;
	s7 =	simm.s32 @!p0 $0x1B8D  }
0xb2: {  	s6 =	sshll.u32 @!p0 s6, $0x11;
	s8 =	sadd.s32 @!p0 $0x11B8D, s8;
	_ =	swait.eq @!p0 [sflag:s7], $0x1  }
0xb3: {  	s6 =	sor.u32 @!p0 s6, s8;
	[sflag:s7] =	ssyncadd.s32 @!p0 $0xFFFFFFFF  }
0xb4: {  	s25 =	simm.s32 $0x1B8E;
	s24 =	sld [smem:$0x3FFE];
	[sflag:s6] =	ssyncadd.remote.s32 @!p0 $0x1  }
0xb5: {  	s26 =	simm.s32 $execute0_lowered;
	[smem:$0x3FD2] =	sst s25  }
0xb6: {  	s7 =	sshll.u32 s26, $0x1;
	_ =	strace $0x80000049;
	[dreg:$0x1] =	wrdreg $0xFFFFFFFF  }
0xb7: {  	s28 =	simm.s32 $_size_execute0_lowered;
	s5 =	sadd.s32 s5, s7;
	[dreg:$0x0] =	wrdreg $0x0  }
0xb8: {  	s7 =	sshll.u32 s28, $0x1;
	[dreg:$0x2] =	wrdreg s5  }
0xb9: {  	[dreg:$0x3] =	wrdreg s7  }
0xba: {  	[dreg:$0x4] =	wrdreg $0xC0  }
0xbb: {  	_ =	task [dreg:s22], $0x5FFFF  }
0xbc: {  	[dreg:$0x1] =	wrdreg $0xFFFFFFFF  }
0xbd: {  	[dreg:$0x0] =	wrdreg $0x60  }
0xbe: {  	[dreg:$0x2] =	wrdreg s24  }
0xbf: {  	[dreg:$0x3] =	wrdreg s18  }
0xc0: {  	[dreg:$0x4] =	wrdreg s4  }
0xc1: {  	[dreg:$0x5] =	wrdreg $0x9  }
0xc2: {  	_ =	task.clear_ibuf [dreg:s22], $0x6FFFF;
	_ =	strace $0x90000049  }
0xc3: {  	s29 =	simm.s32 $0x9;
	_ =	strace $0x8000004B  }
0xc4: {  	_ =	swait.ge [sflag:s29], $0x1  }
0xc5: {  	[sflag:s29] =	ssyncadd.s32 $0xFFFFFFFF  }
0xc6: {  	_ =	strace $0x9000004B  }
0xc7: {  	_ =	sfence  }
0xc8: {  	s30 =	sld [smem:$0x0];
	_ =	sdelay $0x2  }
0xc9: {  	s31 =	sshll.u32 s1, $0xD;
	s1 =	sshrl.u32 s1, $0x2  }
0xca: {  	s4 =	sand.u32 $0x4000, s31;
	s1 =	sadd.s32 s1, s30  }
0xcb: {  	s0 =	sor.u32 s4, s0;
	s1 =	sshll.u32 s1, $0x11  }
0xcc: {  	s0 =	sor.u32 s1, s0  }
0xcd: {  	s0 =	sadd.s32 $0x8F2B, s0  }
0xce: {  	[sflag:s0] =	ssyncadd.remote.s32 $0x1  }
0xcf: {  	_ =	sfence.sel $0xFFFF  }
0xd0: {  	[dreg:$0x0] =	wrdreg $0xFFFFFFFF;
	(pc) =	sbr.abs _section_cstart, $3  }
0xd1: {  	[dreg:$0x1] =	wrdreg $0xFFFFFFFF  }
0xd2: {  	_ =	task.clear_ibuf [dreg:s22], $0x2FFFF;
	_ =	strace $0x9FFFFFFF  }
0xd3: {  	(tm) =	ssettm $0x7FFFFFFF  }
tec
execute0_lowered:
.L_overlay_start_1:
0x0: {  	(tag) =	ssettag $0x1  }
0x1: {  	s1 =	srdreg.scid  }
0x2: {  	s11 =	rddreg [dreg:$0x0];
	s0 =	stileid.u32;
	s13 =	sand.u32 $0x1, s1  }
0x3: {  	s2 =	rddreg [dreg:$0x1];
	s30 =	sshll.u32 s0, $0x9;
	s4 =	sshll.u32 s13, $0x8  }
0x4: {  	s3 =	rddreg [dreg:$0x2];
	s12 =	sor.u32 s4, s30  }
0x5: {  	s1 =	rddreg [dreg:$0x3];
	s4 =	simm.s32 $0x0;
	s5 =	sshrl.u32 s12, $0x3  }
0x6: {  	[smem:$0x7FF] =	sst s4;
	s14 =	sadd.s32 s5, s11  }
0x7: {  	_ =	strace $0x8000004A;
	s5 =	simm.s32 $0x2;
	s6 =	sadd.s32 $0x41800, s14  }
0x8: {  	[tilespmem:s4], [sflag:$0x2] =	stream.linear.gather [hbm4b:s6+s4], $0x100, $0x38;
	[tilespmem:$0x8100] =	vst v63  }
0x9: {  	_ =	swait.ge [sflag:s5], $0x100  }
0xa: {  	s7 =	simm.s32 $0x80;
	[sflag:s5] =	ssyncset.done $0x0  }
0xb: {  	s8 =	simm.s32 $0x100;
	s9 =	simm.s32 $0x1;
	[sflag:s5] =	ssyncadd.s32 $0xFFFFFF00  }
0xc: {  	[tilespmem:s8], [sflag:$0x1] =	stream.indirect.gather [hbm4b:s2+s7], $0x80, s4, s7, $0xb8;
	[tilespmem:$0x8100] =	vst v63  }
0xd: {  	_ =	swait.ge [sflag:s9], $0x4000  }
0xe: {  	[sflag:s9] =	ssyncset.done $0x0  }
0xf: {  	s10 =	simm.s32 $0x4100;
	[sflag:s9] =	ssyncadd.s32 $0xFFFFC000  }
0x10: {  	[tilespmem:s10], [sflag:$0x1] =	stream.indirect.gather [hbm4b:s2+s7], $0x80, s7, s7, $0xb8;
	[tilespmem:$0x8100] =	vst v63  }
0x11: {  	s12 =	sshll.u32 s12, $0x4;
	_ =	swait.ge [sflag:s9], $0x4000  }
0x12: {  	s15 =	sadd.s32 s12, s11;
	[sflag:s9] =	ssyncset.done $0x0  }
0x13: {  	s11 =	sadd.s32 $0x42000, s15;
	[sflag:s9] =	ssyncadd.s32 $0xFFFFC000  }
0x14: {  	[hbm4b:s11+s4] =	stream.linear.scatter [tilespmem:s8], [sflag:$0x2], $0x8000, $0x38;
	[tilespmem:$0x8100] =	vst v63  }
0x15: {  	_ =	swait.ge [sflag:s5], $0x8000  }
0x16: {  	[sflag:s5] =	ssyncset.done $0x0  }
0x17: {  	s12 =	sadd.s32 $0x41C00, s14;
	[sflag:s5] =	ssyncadd.s32 $0xFFFF8000  }
0x18: {  	[tilespmem:s4], [sflag:$0x2] =	stream.linear.gather [hbm4b:s12+s4], $0x100, $0x38;
	[tilespmem:$0x8100] =	vst v63  }
0x19: {  	_ =	swait.ge [sflag:s5], $0x100  }
0x1a: {  	[sflag:s5] =	ssyncset.done $0x0  }
0x1b: {  	s13 =	ssub.s32 $0x2, s13;
	[sflag:s5] =	ssyncadd.s32 $0xFFFFFF00  }
0x1c: {  	[tilespmem:s8], [sflag:$0x1] =	stream.indirect.gather [hbm4b:s3+s7], $0x80, s4, s7, $0xb8;
	[tilespmem:$0x8100] =	vst v63  }
0x1d: {  	s31 =	sshrl.u32 s13, $0x1;
	_ =	swait.ge [sflag:s9], $0x4000  }
0x1e: {  	s14 =	ssub.s32 s13, s31;
	[sflag:s9] =	ssyncset.done $0x0  }
0x1f: {  	s14 =	smax.u32 s14, $0x1;
	[sflag:s9] =	ssyncadd.s32 $0xFFFFC000  }
0x20: {  	[tilespmem:s10], [sflag:$0x1] =	stream.indirect.gather [hbm4b:s3+s7], $0x80, s7, s7, $0xb8;
	[tilespmem:$0x8100] =	vst v63  }
0x21: {  	p0 =	sne.s32 s14, $0x1;
	_ =	swait.ge [sflag:s9], $0x4000  }
.Ltmp0:
0x22: {  	[sflag:s9] =	ssyncset.done $0x0;
	(pc) =	sbr.rel @!p0 .LBB2_2-.Ltmp0, $4  }
0x23: {  	s13 =	sadd.s32 $0x62000, s15;
	[sflag:s9] =	ssyncadd.s32 $0xFFFFC000  }
0x24: {  	[hbm4b:s13+s4] =	stream.linear.scatter [tilespmem:s8], [sflag:$0x2], $0x8000, $0x38;
	[tilespmem:$0x8100] =	vst v63  }
0x25: {  	_ =	swait.ge [sflag:s5], $0x8000  }
0x26: {  	s14 =	sadd.s32 $0xFFFFFFFF, s14;
	[sflag:s5] =	ssyncset.done $0x0  }
.LBB2_1:
0x27: {  	p0 =	sne.s32 s14, $0x1;
	s14 =	sadd.s32 $0xFFFFFFFF, s14;
	[sflag:s5] =	ssyncadd.s32 $0xFFFF8000  }
0x28: {  	[tilespmem:s4], [sflag:$0x2] =	stream.linear.gather [hbm4b:s6+s4], $0x100, $0x38;
	[tilespmem:$0x8100] =	vst v63  }
0x29: {  	_ =	swait.ge [sflag:s5], $0x100  }
0x2a: {  	[sflag:s5] =	ssyncset.done $0x0  }
0x2b: {  	[sflag:s5] =	ssyncadd.s32 $0xFFFFFF00  }
0x2c: {  	[tilespmem:s8], [sflag:$0x1] =	stream.indirect.gather [hbm4b:s2+s7], $0x80, s4, s7, $0xb8;
	[tilespmem:$0x8100] =	vst v63  }
0x2d: {  	_ =	swait.ge [sflag:s9], $0x4000  }
0x2e: {  	[sflag:s9] =	ssyncset.done $0x0  }
0x2f: {  	[sflag:s9] =	ssyncadd.s32 $0xFFFFC000  }
0x30: {  	[tilespmem:s10], [sflag:$0x1] =	stream.indirect.gather [hbm4b:s2+s7], $0x80, s7, s7, $0xb8;
	[tilespmem:$0x8100] =	vst v63  }
0x31: {  	_ =	swait.ge [sflag:s9], $0x4000  }
0x32: {  	[sflag:s9] =	ssyncset.done $0x0  }
0x33: {  	[sflag:s9] =	ssyncadd.s32 $0xFFFFC000  }
0x34: {  	[hbm4b:s11+s4] =	stream.linear.scatter [tilespmem:s8], [sflag:$0x2], $0x8000, $0x38;
	[tilespmem:$0x8100] =	vst v63  }
0x35: {  	_ =	swait.ge [sflag:s5], $0x8000  }
0x36: {  	[sflag:s5] =	ssyncset.done $0x0  }
0x37: {  	[sflag:s5] =	ssyncadd.s32 $0xFFFF8000  }
0x38: {  	[tilespmem:s4], [sflag:$0x2] =	stream.linear.gather [hbm4b:s12+s4], $0x100, $0x38;
	[tilespmem:$0x8100] =	vst v63  }
0x39: {  	_ =	swait.ge [sflag:s5], $0x100  }
0x3a: {  	[sflag:s5] =	ssyncset.done $0x0  }
0x3b: {  	[sflag:s5] =	ssyncadd.s32 $0xFFFFFF00  }
0x3c: {  	[tilespmem:s8], [sflag:$0x1] =	stream.indirect.gather [hbm4b:s3+s7], $0x80, s4, s7, $0xb8;
	[tilespmem:$0x8100] =	vst v63  }
0x3d: {  	_ =	swait.ge [sflag:s9], $0x4000  }
0x3e: {  	[sflag:s9] =	ssyncset.done $0x0  }
0x3f: {  	[sflag:s9] =	ssyncadd.s32 $0xFFFFC000  }
0x40: {  	[tilespmem:s10], [sflag:$0x1] =	stream.indirect.gather [hbm4b:s3+s7], $0x80, s7, s7, $0xb8;
	[tilespmem:$0x8100] =	vst v63  }
0x41: {  	_ =	swait.ge [sflag:s9], $0x4000  }
.Ltmp1:
0x42: {  	[sflag:s9] =	ssyncset.done $0x0;
	(pc) =	sbr.rel @p0 .LBB2_1-.Ltmp1, $4  }
0x43: {  	[sflag:s9] =	ssyncadd.s32 $0xFFFFC000  }
0x44: {  	[hbm4b:s13+s4] =	stream.linear.scatter [tilespmem:s8], [sflag:$0x2], $0x8000, $0x38;
	[tilespmem:$0x8100] =	vst v63  }
0x45: {  	_ =	swait.ge [sflag:s5], $0x8000  }
0x46: {  	[sflag:s5] =	ssyncset.done $0x0  }
.LBB2_2:
0x47: {  	[sflag:s5] =	ssyncadd.s32 $0xFFFF8000  }
0x48: {  	_ =	sfence.sel $0x180000  }
0x49: {  	[bflag:$0x0] =	sbarrier.arrive $0xFFFF  }
0x4a: {  	p0 =	sne.s32 s0, $0x0;
	_ =	strace $0x9000004A  }
0x4b: {  	s0 =	sadd.s32 @!p0 $0x100000, s1;
	[bflag:$0x2] =	sbarrier.arrive $0xFFFF  }
0x4c: {  	[sflag:s0] =	ssyncadd.tile.s32 @!p0 $0x1;
	_ =	shalt  }
.Lfunc_end2:
_tile_overlayer_lowered:
.L_overlay_start_2:
0x4d: {  	(tag) =	ssettag $0x2  }
0x4e: {  	s0 =	rddreg [dreg:$0x0];
	s2 =	stileid.u32  }
0x4f: {  	s1 =	rddreg [dreg:$0x1];
	p0 =	sne.s32 s2, $0x0  }
0x50: {  	s3 =	rddreg [dreg:$0x2];
	[bflag:$0x3] =	sbarrier.arrive $0xFFFF;
	s2 =	simm.s32 @!p0 $0x1C02  }
0x51: {  	[timem:s3], [sflag:s2] =	dma.local @!p0 [hbm:s0], s1  }
0x52: {  	s0 =	simm.s32 @!p0 $0x2  }
0x53: {  	_ =	swait.ge @!p0 [sflag:s0], s1  }
0x54: {  	s1 =	ssub.s32 @!p0 $0x0, s1;
	[sflag:s0] =	ssyncset.done @!p0 $0x0  }
0x55: {  	[sflag:s0] =	ssyncadd.s32 @!p0 s1  }
0x56: {  	[bflag:$0x3] =	sbarrier.arrive $0xFFFF  }
0x57: {  	_ =	shalt  }

// kernel: kernel.9.cloned.1.call-start
scs
__scs_entry_jumppad:
0x0: {  	(pc) =	sbr.rel $0x88, $3  }
0x1: {  	(tag) =	ssettag $0x0;
	lr =	simm.s32 $0x1  }
0x2: {  	[smem:$0x3F9B] =	sst lr;
	_ =	strace $0xD0000000  }
0x3: {  	_ = 	snop  }
0x4: {  	_ = 	snop  }
0x5: {  	_ = 	snop  }
0x6: {  	_ = 	snop  }
0x7: {  	_ = 	snop  }
__scs_overlays_trampoline_lowered:
0x8: {  	[smem:$0x3FAA] =	sst s0  }
0x9: {  	[smem:$0x3FAB] =	sst s1  }
0xa: {  	[smem:$0x3FAC] =	sst s2  }
0xb: {  	[smem:$0x3FAD] =	sst s3  }
0xc: {  	[smem:$0x3FAE] =	sst s4  }
0xd: {  	[smem:$0x3FAF] =	sst s5  }
0xe: {  	[smem:$0x3FB0] =	sst s6  }
0xf: {  	[smem:$0x3FB1] =	sst s7  }
0x10: {  	[smem:$0x3FB2] =	sst s8  }
0x11: {  	[smem:$0x3FB3] =	sst s9;
	s0 =	simm.s32 @!p0 $0x0  }
0x12: {  	s1 =	sld [smem:$0x3F99];
	s0 =	simm.s32 @p0 $0x1  }
0x13: {  	[smem:$0x3FB4] =	sst s0;
	s0 =	simm.s32 @!p1 $0x0  }
0x14: {  	s2 =	sld [smem:$0x3F98];
	s0 =	simm.s32 @p1 $0x1  }
0x15: {  	[smem:$0x3FB5] =	sst s0;
	s0 =	simm.s32 @!p2 $0x0  }
0x16: {  	s3 =	sld [smem:$0x3FDB];
	s0 =	simm.s32 @p2 $0x1  }
0x17: {  	s4 =	simm.s32 $0x1BF5;
	[smem:$0x3FB7] =	sst s0  }
0x18: {  	s0 =	sld [smem:$0x3F9A];
	_ =	swait.ge [sflag:s4], $0x0  }
0x19: {  	s7 =	sld [smem:$0x3F9B]  }
0x1a: {  	s8 =	sadd.s32 $0xFFFFE003, lr  }
0x1b: {  	s9 =	sadd.s32 $0xFFFFFEF7, lr;
	s5 =	simm.s32 $0xFFFFFFFF;
	p2 =	slt.u32 s8, $0xFFFFF086  }
0x1c: {  	p1 =	slt.u32 s9, $0xF7A;
	s5 =	simm.s32 @!p2 $0x0  }
0x1d: {  	s5 =	simm.s32 @p1 $0x1;
	p0 =	seq.s32 s7, s2  }
0x1e: {  	s7 =	smul.u32 @!p0 $0xF7A, s2;
	p2 =	seq.s32 @!p0 s5, $0x0  }
0x1f: {  	s9 =	smul.u32 $0xF7A, s1;
	s8 =	simm.s32 @!p0 $0x1BF5;
	p2 =	por !p2, p0  }
0x20: {  	[sflag:s8] =	ssyncset.s32 @!p0 $0xFFFFF086;
	s6 =	sadd.s32 @!p0 s3, s7;
	s7 =	simm.s32 @!p0 $0x108  }
0x21: {  	s3 =	sadd.s32 s3, s9;
	s6 =	sadd.s32 @!p0 $0x88, s6;
	s7 =	simm.s32 @p2 $0x1082  }
0x22: {  	[simem:s7], [sflag:s8] =	dma.local @!p0 [hbm:s6], $0xF7A  }
0x23: {  	s9 =	sor.u32 $0xD0000000, s2;
	s6 =	simm.s32 $0x108;
	_ =	swait.ge @!p0 [sflag:s8], $0x0  }
0x24: {  	s3 =	sadd.s32 $0x88, s3;
	s6 =	simm.s32 @!p1 $0x1082;
	[sflag:s4] =	ssyncset.s32 $0xFFFFF086  }
0x25: {  	[simem:s6], [sflag:s4] =	dma.local [hbm:s3], $0xF7A  }
0x26: {  	[smem:$0x3F9B] =	sst s1;
	(tag) =	ssettag s2;
	_ =	strace s9  }
0x27: {  	s1 =	sld [smem:$0x3FAB]  }
0x28: {  	s2 =	sld [smem:$0x3FAC]  }
0x29: {  	s4 =	sld [smem:$0x3FAE]  }
0x2a: {  	p0 =	seq.s32 s5, $0x0;
	s5 =	sld [smem:$0x3FAF]  }
0x2b: {  	s6 =	sld [smem:$0x3FB0]  }
0x2c: {  	s7 =	sld [smem:$0x3FB1]  }
0x2d: {  	s3 =	simm.s32 $0x108;
	s8 =	sld [smem:$0x3FB2]  }
0x2e: {  	s3 =	simm.s32 @!p0 $0x1082;
	s9 =	sld [smem:$0x3FB3]  }
0x2f: {  	lr =	sadd.s32 s0, s3;
	s0 =	sld [smem:$0x3FAA]  }
0x30: {  	s3 =	sld [smem:$0x3FAD]  }
0x31: {  	[smem:$0x3FB6] =	sst s10  }
0x32: {  	s10 =	sld [smem:$0x3FB4];
	_ =	sdelay $0x3  }
0x33: {  	p0 =	seq.s32 s10, $0x1;
	s10 =	sld [smem:$0x3FB6];
	_ =	sdelay $0x3  }
0x34: {  	[smem:$0x3FB6] =	sst s10  }
0x35: {  	s10 =	sld [smem:$0x3FB5];
	_ =	sdelay $0x3  }
0x36: {  	p1 =	seq.s32 s10, $0x1;
	s10 =	sld [smem:$0x3FB6];
	_ =	sdelay $0x3  }
0x37: {  	[smem:$0x3FB6] =	sst s10  }
0x38: {  	s10 =	sld [smem:$0x3FB7]  }
0x39: {  	_ = 	snop;
	(pc) =	sbr.ind lr, $3  }
0x3a: {  	_ = 	snop  }
0x3b: {  	_ = 	snop  }
0x3c: {  	p2 =	seq.s32 s10, $0x1;
	s10 =	sld [smem:$0x3FB6]  }
0x3d: {  	_ =	shalt  }
0x3e: {  	_ =	shalt  }
0x3f: {  	_ =	shalt  }
0x40: {  	_ =	shalt  }
0x41: {  	_ =	shalt  }
0x42: {  	_ =	shalt  }
0x43: {  	_ =	shalt  }
0x44: {  	_ =	shalt  }
0x45: {  	_ =	shalt  }
0x46: {  	_ =	shalt  }
0x47: {  	_ =	shalt  }
0x48: {  	_ =	shalt  }
0x49: {  	_ =	shalt  }
0x4a: {  	_ =	shalt  }
0x4b: {  	_ =	shalt  }
0x4c: {  	_ =	shalt  }
0x4d: {  	_ =	shalt  }
0x4e: {  	_ =	shalt  }
0x4f: {  	_ =	shalt  }
0x50: {  	_ =	shalt  }
0x51: {  	_ =	shalt  }
0x52: {  	_ =	shalt  }
0x53: {  	_ =	shalt  }
0x54: {  	_ =	shalt  }
0x55: {  	_ =	shalt  }
0x56: {  	_ =	shalt  }
0x57: {  	_ =	shalt  }
0x58: {  	_ =	shalt  }
0x59: {  	_ =	shalt  }
0x5a: {  	_ =	shalt  }
0x5b: {  	_ =	shalt  }
0x5c: {  	_ =	shalt  }
0x5d: {  	_ =	shalt  }
0x5e: {  	_ =	shalt  }
0x5f: {  	_ =	shalt  }
0x60: {  	_ =	shalt  }
0x61: {  	_ =	shalt  }
0x62: {  	_ =	shalt  }
0x63: {  	_ =	shalt  }
0x64: {  	_ =	shalt  }
0x65: {  	_ =	shalt  }
0x66: {  	_ =	shalt  }
0x67: {  	_ =	shalt  }
0x68: {  	_ =	shalt  }
0x69: {  	_ =	shalt  }
0x6a: {  	_ =	shalt  }
0x6b: {  	_ =	shalt  }
0x6c: {  	_ =	shalt  }
0x6d: {  	_ =	shalt  }
0x6e: {  	_ =	shalt  }
0x6f: {  	_ =	shalt  }
0x70: {  	_ =	shalt  }
0x71: {  	_ =	shalt  }
0x72: {  	_ =	shalt  }
0x73: {  	_ =	shalt  }
0x74: {  	_ =	shalt  }
0x75: {  	_ =	shalt  }
0x76: {  	_ =	shalt  }
0x77: {  	_ =	shalt  }
0x78: {  	_ =	shalt  }
0x79: {  	_ =	shalt  }
0x7a: {  	_ =	shalt  }
0x7b: {  	_ =	shalt  }
0x7c: {  	_ =	shalt  }
0x7d: {  	_ =	shalt  }
0x7e: {  	_ =	shalt  }
0x7f: {  	_ =	shalt  }
0x80: {  	_ =	shalt  }
0x81: {  	_ =	shalt  }
0x82: {  	_ =	shalt  }
0x83: {  	_ =	shalt  }
0x84: {  	_ =	shalt  }
0x85: {  	_ =	shalt  }
0x86: {  	_ =	shalt  }
0x87: {  	_ =	shalt  }
.Lfunc_end0:
.L_simem_size_0:
called_computation.1_lowered:
.L_overlay_start_0:
0x88: {  	s2 =	sld [smem:$0x3FD9]  }
0x89: {  	s3 =	sld [smem:$0x3FFE];
	_ =	sdelay $0x1  }
0x8a: {  	s1 =	srdreg.scid  }
0x8b: {  	s0 =	sand.u32 $0x1, s1  }
0x8c: {  	s14 =	sshll.u32 s0, $0xA;
	s2 =	sadd.s32 s3, s2  }
0x8d: {  	s2 =	sadd.s32 s2, s14  }
0x8e: {  	[smem:$0x3FC2] =	sst s2  }
0x8f: {  	_ = 	snop  }
0x90: {  	s2 =	sld [smem:$0x3FD0];
	_ =	sdelay $0x1  }
0x91: {  	s15 =	sld [smem:$0x3FC7]  }
0x92: {  	s5 =	simm.s32 $0xB;
	s6 =	simm.s32 $0x10;
	s4 =	sld [smem:$0x3FC6]  }
0x93: {  	[smem:s6], [sflag:s5] =	dma.local [hbm:s2], $0x1  }
0x94: {  	_ =	swait.eq [sflag:s5], $0x1  }
0x95: {  	[sflag:s5] =	ssyncset.done $0x0  }
0x96: {  	[sflag:s5] =	ssyncadd.s32 $0xFFFFFFFF  }
0x97: {  	s16 =	sld [smem:$0x10];
	(tm) =	ssettm $0x1  }
0x98: {  	s17 =	sld [smem:$0x3FFB];
	_ =	sdelay $0x3  }
0x99: {  	_ =	strace s17  }
0x9a: {  	s5 =	sld [smem:$0x3FFC];
	_ =	sdelay $0x3  }
0x9b: {  	_ =	strace s5  }
0x9c: {  	s5 =	sld [smem:$0x3FFD];
	_ =	sdelay $0x3  }
0x9d: {  	_ =	strace s5  }
0x9e: {  	_ =	strace $0x8FFFFFFF  }
0x9f: {  	s18 =	sld [smem:$0x3FDB];
	_ =	sdelay $0x1  }
0xa0: {  	s19 =	simm.s32 $_scs_section_size  }
0xa1: {  	s7 =	simm.s32 $_size__tile_overlayer_lowered;
	s8 =	simm.s32 $_tile_overlayer_lowered  }
0xa2: {  	s22 =	simm.s32 $0x1BFF;
	s21 =	sshll.u32 s8, $0x1;
	s5 =	sadd.s32 s19, s18  }
0xa3: {  	s9 =	simm.s32 $0x0;
	s20 =	sshll.u32 s7, $0x1;
	s7 =	sadd.s32 s21, s5  }
0xa4: {  	[timem:s9], [sflag:s22] =	dma.local [hbm:s7], s20  }
0xa5: {  	_ =	swait.ge [sflag:s22], s20  }
0xa6: {  	s6 =	ssub.s32 $0x0, s20;
	[sflag:s22] =	ssyncset.done $0x0  }
0xa7: {  	[sflag:s22] =	ssyncadd.s32 s6;
	_ =	sdelay $0x1  }
0xa8: {  	s23 =	simm.s32 $0x1B8B  }
0xa9: {  	_ =	swait.ge [sflag:s23], $0x1  }
0xaa: {  	[sflag:s23] =	ssyncset.done $0x0  }
0xab: {  	s25 =	simm.s32 $0x1B8E;
	s24 =	sld [smem:$0x3FFE];
	[sflag:s23] =	ssyncadd.s32 $0xFFFFFFFF  }
0xac: {  	s26 =	simm.s32 $execute0_lowered;
	[smem:$0x3FD2] =	sst s25  }
0xad: {  	s7 =	sshll.u32 s26, $0x1;
	_ =	strace $0x80000046;
	[dreg:$0x1] =	wrdreg $0xFFFFFFFF  }
0xae: {  	s28 =	simm.s32 $_size_execute0_lowered;
	s5 =	sadd.s32 s5, s7;
	[dreg:$0x0] =	wrdreg $0x0  }
0xaf: {  	s7 =	sshll.u32 s28, $0x1;
	[dreg:$0x2] =	wrdreg s5  }
0xb0: {  	[dreg:$0x3] =	wrdreg s7  }
0xb1: {  	[dreg:$0x4] =	wrdreg $0xC0  }
0xb2: {  	_ =	task [dreg:s9], $0x5FFFF  }
0xb3: {  	[dreg:$0x1] =	wrdreg $0xFFFFFFFF  }
0xb4: {  	[dreg:$0x0] =	wrdreg $0x60  }
0xb5: {  	[dreg:$0x2] =	wrdreg s24  }
0xb6: {  	[dreg:$0x3] =	wrdreg s16  }
0xb7: {  	[dreg:$0x4] =	wrdreg s15  }
0xb8: {  	[dreg:$0x5] =	wrdreg s4  }
0xb9: {  	[dreg:$0x6] =	wrdreg $0xA  }
0xba: {  	_ =	task.clear_ibuf [dreg:s9], $0x7FFFF;
	_ =	strace $0x90000046  }
0xbb: {  	s29 =	simm.s32 $0xA;
	_ =	strace $0x80000048  }
0xbc: {  	_ =	swait.ge [sflag:s29], $0x1  }
0xbd: {  	[sflag:s29] =	ssyncadd.s32 $0xFFFFFFFF  }
0xbe: {  	_ =	strace $0x90000048  }
0xbf: {  	_ =	sfence  }
0xc0: {  	s30 =	sld [smem:$0x0];
	_ =	sdelay $0x2  }
0xc1: {  	s31 =	sshll.u32 s1, $0xD;
	s1 =	sshrl.u32 s1, $0x2  }
0xc2: {  	s3 =	sand.u32 $0x4000, s31;
	s1 =	sadd.s32 s1, s30  }
0xc3: {  	s0 =	sor.u32 s3, s0;
	s1 =	sshll.u32 s1, $0x11  }
0xc4: {  	s0 =	sor.u32 s1, s0  }
0xc5: {  	s0 =	sadd.s32 $0x8F2B, s0  }
0xc6: {  	[sflag:s0] =	ssyncadd.remote.s32 $0x1  }
0xc7: {  	_ =	sfence.sel $0xFFFF  }
0xc8: {  	[dreg:$0x0] =	wrdreg $0xFFFFFFFF;
	(pc) =	sbr.abs _section_cstart, $3  }
0xc9: {  	[dreg:$0x1] =	wrdreg $0xFFFFFFFF  }
0xca: {  	_ =	task.clear_ibuf [dreg:s9], $0x2FFFF;
	_ =	strace $0x9FFFFFFF  }
0xcb: {  	(tm) =	ssettm $0x7FFFFFFF  }
tec
execute0_lowered:
.L_overlay_start_1:
0x0: {  	(tag) =	ssettag $0x1  }
0x1: {  	s11 =	rddreg [dreg:$0x0];
	s1 =	srdreg.scid  }
0x2: {  	s12 =	rddreg [dreg:$0x1];
	s0 =	stileid.u32;
	s13 =	sand.u32 $0x1, s1  }
0x3: {  	s2 =	rddreg [dreg:$0x2];
	s29 =	sshll.u32 s0, $0x9;
	s4 =	sshll.u32 s13, $0x8  }
0x4: {  	s3 =	rddreg [dreg:$0x3];
	s14 =	sor.u32 s4, s29  }
0x5: {  	s1 =	rddreg [dreg:$0x4];
	s4 =	simm.s32 $0x0;
	s15 =	sshrl.u32 s14, $0x3  }
0x6: {  	[smem:$0x7FF] =	sst s4;
	s5 =	sadd.s32 s15, s11  }
0x7: {  	_ =	strace $0x80000047;
	s6 =	sadd.s32 $0x1400, s5;
	s5 =	simm.s32 $0x2  }
0x8: {  	[tilespmem:s4], [sflag:$0x2] =	stream.linear.gather [hbm4b:s6+s4], $0x100, $0x38;
	[tilespmem:$0x8100] =	vst v63  }
0x9: {  	_ =	swait.ge [sflag:s5], $0x100  }
0xa: {  	s7 =	simm.s32 $0x80;
	[sflag:s5] =	ssyncset.done $0x0  }
0xb: {  	s8 =	simm.s32 $0x100;
	s9 =	simm.s32 $0x1;
	[sflag:s5] =	ssyncadd.s32 $0xFFFFFF00  }
0xc: {  	[tilespmem:s8], [sflag:$0x1] =	stream.indirect.gather [hbm4b:s2+s7], $0x80, s4, s7, $0xb8;
	[tilespmem:$0x8100] =	vst v63  }
0xd: {  	_ =	swait.ge [sflag:s9], $0x4000  }
0xe: {  	[sflag:s9] =	ssyncset.done $0x0  }
0xf: {  	s10 =	simm.s32 $0x4100;
	[sflag:s9] =	ssyncadd.s32 $0xFFFFC000  }
0x10: {  	[tilespmem:s10], [sflag:$0x1] =	stream.indirect.gather [hbm4b:s2+s7], $0x80, s7, s7, $0xb8;
	[tilespmem:$0x8100] =	vst v63  }
0x11: {  	s14 =	sshll.u32 s14, $0x4;
	_ =	swait.ge [sflag:s9], $0x4000  }
0x12: {  	s14 =	sadd.s32 s14, s11;
	[sflag:s9] =	ssyncset.done $0x0  }
0x13: {  	s11 =	sadd.s32 $0x1800, s14;
	[sflag:s9] =	ssyncadd.s32 $0xFFFFC000  }
0x14: {  	[hbm4b:s11+s4] =	stream.linear.scatter [tilespmem:s8], [sflag:$0x2], $0x8000, $0x38;
	[tilespmem:$0x8100] =	vst v63  }
0x15: {  	_ =	swait.ge [sflag:s5], $0x8000  }
0x16: {  	[sflag:s5] =	ssyncset.done $0x0  }
0x17: {  	s12 =	sadd.s32 s12, s15;
	[sflag:s5] =	ssyncadd.s32 $0xFFFF8000  }
0x18: {  	[tilespmem:s4], [sflag:$0x2] =	stream.linear.gather [hbm4b:s12+s4], $0x100, $0x38;
	[tilespmem:$0x8100] =	vst v63  }
0x19: {  	_ =	swait.ge [sflag:s5], $0x100  }
0x1a: {  	[sflag:s5] =	ssyncset.done $0x0  }
0x1b: {  	s13 =	ssub.s32 $0x2, s13;
	[sflag:s5] =	ssyncadd.s32 $0xFFFFFF00  }
0x1c: {  	[tilespmem:s8], [sflag:$0x1] =	stream.indirect.gather [hbm4b:s3+s7], $0x80, s4, s7, $0xb8;
	[tilespmem:$0x8100] =	vst v63  }
0x1d: {  	s30 =	sshrl.u32 s13, $0x1;
	_ =	swait.ge [sflag:s9], $0x4000  }
0x1e: {  	s15 =	ssub.s32 s13, s30;
	[sflag:s9] =	ssyncset.done $0x0  }
0x1f: {  	s31 =	smax.u32 s15, $0x1;
	[sflag:s9] =	ssyncadd.s32 $0xFFFFC000  }
0x20: {  	[tilespmem:s10], [sflag:$0x1] =	stream.indirect.gather [hbm4b:s3+s7], $0x80, s7, s7, $0xb8;
	[tilespmem:$0x8100] =	vst v63  }
0x21: {  	p0 =	sne.s32 s31, $0x1;
	_ =	swait.ge [sflag:s9], $0x4000  }
.Ltmp0:
0x22: {  	[sflag:s9] =	ssyncset.done $0x0;
	(pc) =	sbr.rel @!p0 .LBB2_2-.Ltmp0, $4  }
0x23: {  	s13 =	sadd.s32 $0x21800, s14;
	[sflag:s9] =	ssyncadd.s32 $0xFFFFC000  }
0x24: {  	[hbm4b:s13+s4] =	stream.linear.scatter [tilespmem:s8], [sflag:$0x2], $0x8000, $0x38;
	[tilespmem:$0x8100] =	vst v63  }
0x25: {  	_ =	swait.ge [sflag:s5], $0x8000  }
0x26: {  	s14 =	sadd.s32 $0xFFFFFFFF, s31;
	[sflag:s5] =	ssyncset.done $0x0  }
.LBB2_1:
0x27: {  	p0 =	sne.s32 s14, $0x1;
	s14 =	sadd.s32 $0xFFFFFFFF, s14;
	[sflag:s5] =	ssyncadd.s32 $0xFFFF8000  }
0x28: {  	[tilespmem:s4], [sflag:$0x2] =	stream.linear.gather [hbm4b:s6+s4], $0x100, $0x38;
	[tilespmem:$0x8100] =	vst v63  }
0x29: {  	_ =	swait.ge [sflag:s5], $0x100  }
0x2a: {  	[sflag:s5] =	ssyncset.done $0x0  }
0x2b: {  	[sflag:s5] =	ssyncadd.s32 $0xFFFFFF00  }
0x2c: {  	[tilespmem:s8], [sflag:$0x1] =	stream.indirect.gather [hbm4b:s2+s7], $0x80, s4, s7, $0xb8;
	[tilespmem:$0x8100] =	vst v63  }
0x2d: {  	_ =	swait.ge [sflag:s9], $0x4000  }
0x2e: {  	[sflag:s9] =	ssyncset.done $0x0  }
0x2f: {  	[sflag:s9] =	ssyncadd.s32 $0xFFFFC000  }
0x30: {  	[tilespmem:s10], [sflag:$0x1] =	stream.indirect.gather [hbm4b:s2+s7], $0x80, s7, s7, $0xb8;
	[tilespmem:$0x8100] =	vst v63  }
0x31: {  	_ =	swait.ge [sflag:s9], $0x4000  }
0x32: {  	[sflag:s9] =	ssyncset.done $0x0  }
0x33: {  	[sflag:s9] =	ssyncadd.s32 $0xFFFFC000  }
0x34: {  	[hbm4b:s11+s4] =	stream.linear.scatter [tilespmem:s8], [sflag:$0x2], $0x8000, $0x38;
	[tilespmem:$0x8100] =	vst v63  }
0x35: {  	_ =	swait.ge [sflag:s5], $0x8000  }
0x36: {  	[sflag:s5] =	ssyncset.done $0x0  }
0x37: {  	[sflag:s5] =	ssyncadd.s32 $0xFFFF8000  }
0x38: {  	[tilespmem:s4], [sflag:$0x2] =	stream.linear.gather [hbm4b:s12+s4], $0x100, $0x38;
	[tilespmem:$0x8100] =	vst v63  }
0x39: {  	_ =	swait.ge [sflag:s5], $0x100  }
0x3a: {  	[sflag:s5] =	ssyncset.done $0x0  }
0x3b: {  	[sflag:s5] =	ssyncadd.s32 $0xFFFFFF00  }
0x3c: {  	[tilespmem:s8], [sflag:$0x1] =	stream.indirect.gather [hbm4b:s3+s7], $0x80, s4, s7, $0xb8;
	[tilespmem:$0x8100] =	vst v63  }
0x3d: {  	_ =	swait.ge [sflag:s9], $0x4000  }
0x3e: {  	[sflag:s9] =	ssyncset.done $0x0  }
0x3f: {  	[sflag:s9] =	ssyncadd.s32 $0xFFFFC000  }
0x40: {  	[tilespmem:s10], [sflag:$0x1] =	stream.indirect.gather [hbm4b:s3+s7], $0x80, s7, s7, $0xb8;
	[tilespmem:$0x8100] =	vst v63  }
0x41: {  	_ =	swait.ge [sflag:s9], $0x4000  }
.Ltmp1:
0x42: {  	[sflag:s9] =	ssyncset.done $0x0;
	(pc) =	sbr.rel @p0 .LBB2_1-.Ltmp1, $4  }
0x43: {  	[sflag:s9] =	ssyncadd.s32 $0xFFFFC000  }
0x44: {  	[hbm4b:s13+s4] =	stream.linear.scatter [tilespmem:s8], [sflag:$0x2], $0x8000, $0x38;
	[tilespmem:$0x8100] =	vst v63  }
0x45: {  	_ =	swait.ge [sflag:s5], $0x8000  }
0x46: {  	[sflag:s5] =	ssyncset.done $0x0  }
.LBB2_2:
0x47: {  	[sflag:s5] =	ssyncadd.s32 $0xFFFF8000  }
0x48: {  	_ =	sfence.sel $0x180000  }
0x49: {  	[bflag:$0x0] =	sbarrier.arrive $0xFFFF  }
0x4a: {  	p0 =	sne.s32 s0, $0x0;
	_ =	strace $0x90000047  }
0x4b: {  	s0 =	sadd.s32 @!p0 $0x100000, s1;
	[bflag:$0x2] =	sbarrier.arrive $0xFFFF  }
0x4c: {  	[sflag:s0] =	ssyncadd.tile.s32 @!p0 $0x1;
	_ =	shalt  }
.Lfunc_end2:
_tile_overlayer_lowered:
.L_overlay_start_2:
0x4d: {  	(tag) =	ssettag $0x2  }
0x4e: {  	s0 =	rddreg [dreg:$0x0];
	s2 =	stileid.u32  }
0x4f: {  	s1 =	rddreg [dreg:$0x1];
	p0 =	sne.s32 s2, $0x0  }
0x50: {  	s3 =	rddreg [dreg:$0x2];
	[bflag:$0x3] =	sbarrier.arrive $0xFFFF;
	s2 =	simm.s32 @!p0 $0x1C02  }
0x51: {  	[timem:s3], [sflag:s2] =	dma.local @!p0 [hbm:s0], s1  }
0x52: {  	s0 =	simm.s32 @!p0 $0x2  }
0x53: {  	_ =	swait.ge @!p0 [sflag:s0], s1  }
0x54: {  	s1 =	ssub.s32 @!p0 $0x0, s1;
	[sflag:s0] =	ssyncset.done @!p0 $0x0  }
0x55: {  	[sflag:s0] =	ssyncadd.s32 @!p0 s1  }
0x56: {  	[bflag:$0x3] =	sbarrier.arrive $0xFFFF  }
0x57: {  	_ =	shalt  }

</sc_bundles>
